<compile_context>
chip_gen: v7x
topology: tpu7x:2x2x1
jax: 0.10.2.dev20260603
libtpu: 0.0.44.dev20260713+nightly
codegen_flags: <defaults>
</compile_context>

<pallas_src>
import functools

import jax
import jax.numpy as jnp
from jax import lax
from jax.experimental import pallas as pl
from jax.experimental.pallas import tpu as pltpu
from jax.experimental.pallas import tpu_sc as plsc

NC = 2
NS = 16
NW = NC * NS
LANES = 16


@functools.lru_cache(maxsize=None)
def _make_pool_kernel(B, L, D):
    XL = 128
    GLP = 56
    RPW = B // NW
    NREG = D // LANES
    NBUF = 8
    CHUNK = 64
    NCH = RPW // CHUNK
    DP = 2 * D

    mesh = plsc.VectorSubcoreMesh(core_axis_name="c", subcore_axis_name="s")

    @functools.partial(
        pl.kernel,
        mesh=mesh,
        compiler_params=pltpu.CompilerParams(use_tc_tiling_on_sc=False),
        out_type=jax.ShapeDtypeStruct((B, DP), jnp.float32),
        scratch_types=[
            pltpu.VMEM((2, CHUNK, XL), jnp.int32),
            pltpu.VMEM((NBUF, GLP, D), jnp.float32),
            pltpu.VMEM((RPW, DP), jnp.float32),
        ] + [pltpu.SemaphoreType.DMA] * NBUF,
    )
    def pool(x_hbm, table_hbm, out_hbm, idx_v, rows_v, pooled_v, *sems):
        cid = lax.axis_index("c")
        sid = lax.axis_index("s")
        wid = sid * NC + cid
        base = wid * RPW

        def stage(c, cb):
            pltpu.sync_copy(x_hbm.at[pl.ds(base + c * CHUNK, CHUNK)],
                            idx_v.at[cb])

        def fire(g, b, cb):
            pltpu.async_copy(table_hbm.at[idx_v.at[cb, g, pl.ds(0, GLP)]],
                             rows_v.at[b], sems[b])

        def consume(row, g, b, cb):
            pltpu.make_async_copy(table_hbm.at[idx_v.at[cb, g, pl.ds(0, GLP)]],
                                  rows_v.at[b], sems[b]).wait()

            def body(j, accs):
                out = accs
                for u in range(2):
                    r = 2 * j + u
                    out = tuple(out[k] + rows_v[b, r, pl.ds(k * LANES, LANES)]
                                for k in range(NREG))
                return out
            accs = tuple(jnp.zeros((LANES,), jnp.float32)
                         for _ in range(NREG))
            accs = lax.fori_loop(0, L // 2, body, accs)
            zero = jnp.zeros((LANES,), jnp.float32)
            for k in range(NREG):
                pooled_v[row, pl.ds(k * LANES, LANES)] = accs[k]
            for k in range(NREG, DP // LANES):
                pooled_v[row, pl.ds(k * LANES, LANES)] = zero

        stage(0, 0)
        for b in range(NBUF - 1):
            fire(b, b, 0)

        def chunk_body(c, carry):
            cb = lax.rem(c, 2)
            nxt = lax.rem(c + 1, 2)

            @pl.when(c + 1 < NCH)
            def _():
                stage(c + 1, nxt)

            def step(i, carry2):
                for b in range(NBUF):
                    g = i * NBUF + b
                    consume(c * CHUNK + g, g, b, cb)
                    gg = g + NBUF - 1
                    bb = (b + NBUF - 1) % NBUF
                    @pl.when(gg < CHUNK)
                    def _():
                        fire(gg, bb, cb)

                    @pl.when(jnp.logical_and(gg >= CHUNK, c + 1 < NCH))
                    def _():
                        fire(gg - CHUNK, bb, nxt)
                return carry2

            lax.fori_loop(0, CHUNK // NBUF, step, 0)
            return carry

        lax.fori_loop(0, NCH, chunk_body, 0)

        pltpu.sync_copy(pooled_v, out_hbm.at[pl.ds(base, RPW)])

    return pool


@functools.lru_cache(maxsize=None)
def _make_mlp_kernel(B, D, H, O, BT):
    def body(p_ref, w1_ref, b1_ref, w2_ref, b2_ref, o_ref):
        h = jnp.dot(p_ref[...], w1_ref[...],
                    preferred_element_type=jnp.float32) + b1_ref[...]
        h = jnp.maximum(h, 0.0)
        o_ref[...] = jnp.dot(h, w2_ref[...],
                             preferred_element_type=jnp.float32) + b2_ref[...]

    return pl.pallas_call(
        body,
        grid=(B // BT,),
        in_specs=[
            pl.BlockSpec((BT, D), lambda i: (i, 0)),
            pl.BlockSpec((D, H), lambda i: (0, 0)),
            pl.BlockSpec((1, H), lambda i: (0, 0)),
            pl.BlockSpec((H, O), lambda i: (0, 0)),
            pl.BlockSpec((1, O), lambda i: (0, 0)),
        ],
        out_specs=pl.BlockSpec((BT, O), lambda i: (i, 0)),
        out_shape=jax.ShapeDtypeStruct((B, O), jnp.float32),
    )


def kernel(x, table, W1, b1, W2, b2):
    B, L = x.shape
    V, D = table.shape
    H = W1.shape[0]
    O = W2.shape[0]
    xp = jnp.concatenate(
        [x, x[:, :6], jnp.zeros((B, 72), x.dtype)], axis=1)
    sums = _make_pool_kernel(B, L, D)(xp, table)
    w1p = jnp.concatenate([W1.T / float(L), jnp.zeros((D, H), W1.dtype)], axis=0)
    mlp = _make_mlp_kernel(B, 2 * D, H, O, 2048)
    return mlp(sums, w1p, b1.reshape(1, H), W2.T, b2.reshape(1, O))

# --- scband reference (transcript-rebuilt; emitter-appended) ---
"""Pipeline reference for scband-news-encoder-43138651521355 (READ-ONLY COPY).

The authoritative reference and input builder live on the scoring server;
editing this copy changes nothing except your own understanding.
"""

import jax, jax.numpy as jnp
import numpy as np

VOCAB = 1000000
EMBED_DIM = 64
HIDDEN_DIM = 128
OUTPUT_DIM = 200
BATCH = 16384
HIST_LEN = 50


def setup_inputs(seed: int = 0) -> dict:
    key = jax.random.key(seed)
    k_x, k_tab, k_w1, k_b1, k_w2, k_b2 = jax.random.split(key, 6)
    x = jax.random.randint(k_x, (BATCH, HIST_LEN), 0, VOCAB, dtype=jnp.int64 if jax.config.jax_enable_x64 else jnp.int32).astype(jnp.int32)
    table = jax.random.normal(k_tab, (VOCAB, EMBED_DIM), dtype=jnp.float32)
    # torch nn.Linear default init: U(-1/sqrt(fan_in), 1/sqrt(fan_in))
    bound1 = 1.0 / np.sqrt(EMBED_DIM)
    W1 = jax.random.uniform(k_w1, (HIDDEN_DIM, EMBED_DIM), minval=-bound1, maxval=bound1, dtype=jnp.float32)
    b1 = jax.random.uniform(k_b1, (HIDDEN_DIM,), minval=-bound1, maxval=bound1, dtype=jnp.float32)
    bound2 = 1.0 / np.sqrt(HIDDEN_DIM)
    W2 = jax.random.uniform(k_w2, (OUTPUT_DIM, HIDDEN_DIM), minval=-bound2, maxval=bound2, dtype=jnp.float32)
    b2 = jax.random.uniform(k_b2, (OUTPUT_DIM,), minval=-bound2, maxval=bound2, dtype=jnp.float32)
    return {"x": x, "table": table, "W1": W1, "b1": b1, "W2": W2, "b2": b2}


def reference(x, table, W1, b1, W2, b2):
    # embedding lookup: [B, L] -> [B, L, D]
    embedded = jnp.take(table, x, axis=0)
    # mean over sequence dim: [B, D]
    embedded = embedded.mean(axis=1)
    # fc1 + relu
    out = embedded @ W1.T + b1
    out = jax.nn.relu(out)
    # fc2
    out = out @ W2.T + b2
    return out

if __name__ == "__main__":
    import jax
    _d = setup_inputs()
    print(jax.jit(kernel)(*tuple(_d.values())))

</pallas_src>

<mosaic_0001>
#map = affine_map<(d0, d1) -> (0, 0)>
module attributes {stable_mosaic.version = 14 : i64} {
  func.func @pool(%arg0: i32, %arg1: i32, %arg2: memref<16384x128xi32, #tpu.memory_space<hbm>>, %arg3: memref<1000000x64xf32, #tpu.memory_space<hbm>>, %arg4: memref<16384x128xf32, #tpu.memory_space<hbm>>, %arg5: memref<2x64x128xi32, #tpu.memory_space<vmem>>, %arg6: memref<8x56x64xf32, #tpu.memory_space<vmem>>, %arg7: memref<512x128xf32, #tpu.memory_space<vmem>>, %arg8: memref<!tpu.dma_semaphore, #tpu.memory_space<semaphore_mem>>, %arg9: memref<!tpu.dma_semaphore, #tpu.memory_space<semaphore_mem>>, %arg10: memref<!tpu.dma_semaphore, #tpu.memory_space<semaphore_mem>>, %arg11: memref<!tpu.dma_semaphore, #tpu.memory_space<semaphore_mem>>, %arg12: memref<!tpu.dma_semaphore, #tpu.memory_space<semaphore_mem>>, %arg13: memref<!tpu.dma_semaphore, #tpu.memory_space<semaphore_mem>>, %arg14: memref<!tpu.dma_semaphore, #tpu.memory_space<semaphore_mem>>, %arg15: memref<!tpu.dma_semaphore, #tpu.memory_space<semaphore_mem>>) attributes {dimension_semantics = [#tpu.dimension_semantics<core_parallel>, #tpu.dimension_semantics<subcore_parallel>], iteration_bounds = array<i64: 2, 16>, scalar_prefetch = 0 : i64, scratch_operands = 11 : i64, tpu.core_type = #tpu.core_type<sc_vector_subcore>, window_params = [{transform_indices = #map}, {transform_indices = #map}, {transform_indices = #map}]} {
    %mul3A = arith.constant 2 : i32
    %mul3A_0 = arith.muli %arg1, %mul3A : i32
    %add3A = arith.addi %mul3A_0, %arg0 : i32
    %mul3A_1 = arith.constant 512 : i32
    %mul3A_2 = arith.muli %add3A, %mul3A_1 : i32
    %add3A_3 = arith.constant 0 : i32
    %add3A_4 = arith.addi %mul3A_2, %add3A_3 : i32
    %run_scoped3A = arith.constant 0 : i32
    "tpu.region"() ({
      %run_scoped3A_100 = tpu.sem_alloc : memref<!tpu.dma_semaphore, #tpu.memory_space<semaphore_mem>>
      %dma_start3A_101 = arith.constant 0 : i32
      %dma_start3A_102 = arith.constant 0 : i32
      %dma_start3A_103 = tpu.memref_slice %arg5[%run_scoped3A, %dma_start3A_101, %dma_start3A_102] : memref<2x64x128xi32, #tpu.memory_space<vmem>> -> memref<1x64x128xi32, #tpu.memory_space<vmem>>
      %dma_start3A_104 = tpu.memref_squeeze %dma_start3A_103 : memref<1x64x128xi32, #tpu.memory_space<vmem>> -> memref<64x128xi32, #tpu.memory_space<vmem>>
      %dma_start3A_105 = arith.constant 0 : i32
      %dma_start3A_106 = tpu.memref_slice %arg2[%add3A_4, %dma_start3A_105] : memref<16384x128xi32, #tpu.memory_space<hbm>> -> memref<64x128xi32, #tpu.memory_space<hbm>>
      %dma_start3A_107 = arith.constant 0 : i32
      %dma_start3A_108 = arith.constant 0 : i32
      %dma_start3A_109 = tpu.memref_slice %arg5[%run_scoped3A, %dma_start3A_107, %dma_start3A_108] : memref<2x64x128xi32, #tpu.memory_space<vmem>> -> memref<1x64x128xi32, #tpu.memory_space<vmem>>
      %dma_start3A_110 = tpu.memref_squeeze %dma_start3A_109 : memref<1x64x128xi32, #tpu.memory_space<vmem>> -> memref<64x128xi32, #tpu.memory_space<vmem>>
      %dma_start3A_111 = arith.constant 0 : i32
      %dma_start3A_112 = tpu.memref_slice %arg2[%add3A_4, %dma_start3A_111] : memref<16384x128xi32, #tpu.memory_space<hbm>> -> memref<64x128xi32, #tpu.memory_space<hbm>>
      tpu.enqueue_dma source(%dma_start3A_112 : memref<64x128xi32, #tpu.memory_space<hbm>>) target(%dma_start3A_110 : memref<64x128xi32, #tpu.memory_space<vmem>>) target_semaphore(%run_scoped3A_100 : memref<!tpu.dma_semaphore, #tpu.memory_space<semaphore_mem>>)
      %dma_wait3A = arith.constant 0 : i32
      %dma_wait3A_113 = arith.constant 0 : i32
      %dma_wait3A_114 = tpu.memref_slice %arg5[%run_scoped3A, %dma_wait3A, %dma_wait3A_113] : memref<2x64x128xi32, #tpu.memory_space<vmem>> -> memref<1x64x128xi32, #tpu.memory_space<vmem>>
      %dma_wait3A_115 = tpu.memref_squeeze %dma_wait3A_114 : memref<1x64x128xi32, #tpu.memory_space<vmem>> -> memref<64x128xi32, #tpu.memory_space<vmem>>
      %dma_wait3A_116 = arith.constant 0 : i32
      %dma_wait3A_117 = tpu.memref_slice %arg2[%add3A_4, %dma_wait3A_116] : memref<16384x128xi32, #tpu.memory_space<hbm>> -> memref<64x128xi32, #tpu.memory_space<hbm>>
      %dma_wait3A_118 = arith.constant 0 : i32
      %dma_wait3A_119 = arith.constant 0 : i32
      %dma_wait3A_120 = tpu.memref_slice %arg5[%run_scoped3A, %dma_wait3A_118, %dma_wait3A_119] : memref<2x64x128xi32, #tpu.memory_space<vmem>> -> memref<1x64x128xi32, #tpu.memory_space<vmem>>
      %dma_wait3A_121 = tpu.memref_squeeze %dma_wait3A_120 : memref<1x64x128xi32, #tpu.memory_space<vmem>> -> memref<64x128xi32, #tpu.memory_space<vmem>>
      %dma_wait3A_122 = arith.constant 0 : i32
      %dma_wait3A_123 = tpu.memref_slice %arg2[%add3A_4, %dma_wait3A_122] : memref<16384x128xi32, #tpu.memory_space<hbm>> -> memref<64x128xi32, #tpu.memory_space<hbm>>
      tpu.wait_dma2 semaphore(%run_scoped3A_100 : memref<!tpu.dma_semaphore, #tpu.memory_space<semaphore_mem>>) src(%dma_wait3A_123 : memref<64x128xi32, #tpu.memory_space<hbm>>) dst(%dma_wait3A_121 : memref<64x128xi32, #tpu.memory_space<vmem>>)
      tpu.yield
    }) : () -> ()
    %dma_start3A = arith.constant 0 : i32
    %dma_start3A_5 = arith.constant 0 : i32
    %dma_start3A_6 = arith.constant 0 : i32
    %dma_start3A_7 = arith.constant 0 : i32
    %dma_start3A_8 = arith.constant 0 : i32
    %dma_start3A_9 = tpu.memref_slice %arg6[%dma_start3A_6, %dma_start3A_7, %dma_start3A_8] : memref<8x56x64xf32, #tpu.memory_space<vmem>> -> memref<1x56x64xf32, #tpu.memory_space<vmem>>
    %dma_start3A_10 = tpu.memref_squeeze %dma_start3A_9 : memref<1x56x64xf32, #tpu.memory_space<vmem>> -> memref<56x64xf32, #tpu.memory_space<vmem>>
    %dma_start3A_11 = arith.constant 0 : i32
    %dma_start3A_12 = tpu.memref_slice %arg5[%dma_start3A, %dma_start3A_5, %dma_start3A_11] : memref<2x64x128xi32, #tpu.memory_space<vmem>> -> memref<1x1x56xi32, #tpu.memory_space<vmem>>
    %dma_start3A_13 = tpu.memref_squeeze %dma_start3A_12 : memref<1x1x56xi32, #tpu.memory_space<vmem>> -> memref<56xi32, #tpu.memory_space<vmem>>
    %dma_start3A_14 = arith.constant 0 : i32
    %dma_start3A_15 = arith.constant 0 : i32
    %dma_start3A_16 = tpu.memref_slice %arg3[%dma_start3A_14, %dma_start3A_15] : memref<1000000x64xf32, #tpu.memory_space<hbm>> -> memref<1000000x64xf32, #tpu.memory_space<hbm>>
    tpu.enqueue_indirect_dma source(%dma_start3A_16 : memref<1000000x64xf32, #tpu.memory_space<hbm>>) target(%dma_start3A_10 : memref<56x64xf32, #tpu.memory_space<vmem>>) offsets(%dma_start3A_13 : memref<56xi32, #tpu.memory_space<vmem>>) semaphore(%arg8 : memref<!tpu.dma_semaphore, #tpu.memory_space<semaphore_mem>>)
    %dma_start3A_17 = arith.constant 0 : i32
    %dma_start3A_18 = arith.constant 1 : i32
    %dma_start3A_19 = arith.constant 1 : i32
    %dma_start3A_20 = arith.constant 0 : i32
    %dma_start3A_21 = arith.constant 0 : i32
    %dma_start3A_22 = tpu.memref_slice %arg6[%dma_start3A_19, %dma_start3A_20, %dma_start3A_21] : memref<8x56x64xf32, #tpu.memory_space<vmem>> -> memref<1x56x64xf32, #tpu.memory_space<vmem>>
    %dma_start3A_23 = tpu.memref_squeeze %dma_start3A_22 : memref<1x56x64xf32, #tpu.memory_space<vmem>> -> memref<56x64xf32, #tpu.memory_space<vmem>>
    %dma_start3A_24 = arith.constant 0 : i32
    %dma_start3A_25 = tpu.memref_slice %arg5[%dma_start3A_17, %dma_start3A_18, %dma_start3A_24] : memref<2x64x128xi32, #tpu.memory_space<vmem>> -> memref<1x1x56xi32, #tpu.memory_space<vmem>>
    %dma_start3A_26 = tpu.memref_squeeze %dma_start3A_25 : memref<1x1x56xi32, #tpu.memory_space<vmem>> -> memref<56xi32, #tpu.memory_space<vmem>>
    %dma_start3A_27 = arith.constant 0 : i32
    %dma_start3A_28 = arith.constant 0 : i32
    %dma_start3A_29 = tpu.memref_slice %arg3[%dma_start3A_27, %dma_start3A_28] : memref<1000000x64xf32, #tpu.memory_space<hbm>> -> memref<1000000x64xf32, #tpu.memory_space<hbm>>
    tpu.enqueue_indirect_dma source(%dma_start3A_29 : memref<1000000x64xf32, #tpu.memory_space<hbm>>) target(%dma_start3A_23 : memref<56x64xf32, #tpu.memory_space<vmem>>) offsets(%dma_start3A_26 : memref<56xi32, #tpu.memory_space<vmem>>) semaphore(%arg9 : memref<!tpu.dma_semaphore, #tpu.memory_space<semaphore_mem>>)
    %dma_start3A_30 = arith.constant 0 : i32
    %dma_start3A_31 = arith.constant 2 : i32
    %dma_start3A_32 = arith.constant 2 : i32
    %dma_start3A_33 = arith.constant 0 : i32
    %dma_start3A_34 = arith.constant 0 : i32
    %dma_start3A_35 = tpu.memref_slice %arg6[%dma_start3A_32, %dma_start3A_33, %dma_start3A_34] : memref<8x56x64xf32, #tpu.memory_space<vmem>> -> memref<1x56x64xf32, #tpu.memory_space<vmem>>
    %dma_start3A_36 = tpu.memref_squeeze %dma_start3A_35 : memref<1x56x64xf32, #tpu.memory_space<vmem>> -> memref<56x64xf32, #tpu.memory_space<vmem>>
    %dma_start3A_37 = arith.constant 0 : i32
    %dma_start3A_38 = tpu.memref_slice %arg5[%dma_start3A_30, %dma_start3A_31, %dma_start3A_37] : memref<2x64x128xi32, #tpu.memory_space<vmem>> -> memref<1x1x56xi32, #tpu.memory_space<vmem>>
    %dma_start3A_39 = tpu.memref_squeeze %dma_start3A_38 : memref<1x1x56xi32, #tpu.memory_space<vmem>> -> memref<56xi32, #tpu.memory_space<vmem>>
    %dma_start3A_40 = arith.constant 0 : i32
    %dma_start3A_41 = arith.constant 0 : i32
    %dma_start3A_42 = tpu.memref_slice %arg3[%dma_start3A_40, %dma_start3A_41] : memref<1000000x64xf32, #tpu.memory_space<hbm>> -> memref<1000000x64xf32, #tpu.memory_space<hbm>>
    tpu.enqueue_indirect_dma source(%dma_start3A_42 : memref<1000000x64xf32, #tpu.memory_space<hbm>>) target(%dma_start3A_36 : memref<56x64xf32, #tpu.memory_space<vmem>>) offsets(%dma_start3A_39 : memref<56xi32, #tpu.memory_space<vmem>>) semaphore(%arg10 : memref<!tpu.dma_semaphore, #tpu.memory_space<semaphore_mem>>)
    %dma_start3A_43 = arith.constant 0 : i32
    %dma_start3A_44 = arith.constant 3 : i32
    %dma_start3A_45 = arith.constant 3 : i32
    %dma_start3A_46 = arith.constant 0 : i32
    %dma_start3A_47 = arith.constant 0 : i32
    %dma_start3A_48 = tpu.memref_slice %arg6[%dma_start3A_45, %dma_start3A_46, %dma_start3A_47] : memref<8x56x64xf32, #tpu.memory_space<vmem>> -> memref<1x56x64xf32, #tpu.memory_space<vmem>>
    %dma_start3A_49 = tpu.memref_squeeze %dma_start3A_48 : memref<1x56x64xf32, #tpu.memory_space<vmem>> -> memref<56x64xf32, #tpu.memory_space<vmem>>
    %dma_start3A_50 = arith.constant 0 : i32
    %dma_start3A_51 = tpu.memref_slice %arg5[%dma_start3A_43, %dma_start3A_44, %dma_start3A_50] : memref<2x64x128xi32, #tpu.memory_space<vmem>> -> memref<1x1x56xi32, #tpu.memory_space<vmem>>
    %dma_start3A_52 = tpu.memref_squeeze %dma_start3A_51 : memref<1x1x56xi32, #tpu.memory_space<vmem>> -> memref<56xi32, #tpu.memory_space<vmem>>
    %dma_start3A_53 = arith.constant 0 : i32
    %dma_start3A_54 = arith.constant 0 : i32
    %dma_start3A_55 = tpu.memref_slice %arg3[%dma_start3A_53, %dma_start3A_54] : memref<1000000x64xf32, #tpu.memory_space<hbm>> -> memref<1000000x64xf32, #tpu.memory_space<hbm>>
    tpu.enqueue_indirect_dma source(%dma_start3A_55 : memref<1000000x64xf32, #tpu.memory_space<hbm>>) target(%dma_start3A_49 : memref<56x64xf32, #tpu.memory_space<vmem>>) offsets(%dma_start3A_52 : memref<56xi32, #tpu.memory_space<vmem>>) semaphore(%arg11 : memref<!tpu.dma_semaphore, #tpu.memory_space<semaphore_mem>>)
    %dma_start3A_56 = arith.constant 0 : i32
    %dma_start3A_57 = arith.constant 4 : i32
    %dma_start3A_58 = arith.constant 4 : i32
    %dma_start3A_59 = arith.constant 0 : i32
    %dma_start3A_60 = arith.constant 0 : i32
    %dma_start3A_61 = tpu.memref_slice %arg6[%dma_start3A_58, %dma_start3A_59, %dma_start3A_60] : memref<8x56x64xf32, #tpu.memory_space<vmem>> -> memref<1x56x64xf32, #tpu.memory_space<vmem>>
    %dma_start3A_62 = tpu.memref_squeeze %dma_start3A_61 : memref<1x56x64xf32, #tpu.memory_space<vmem>> -> memref<56x64xf32, #tpu.memory_space<vmem>>
    %dma_start3A_63 = arith.constant 0 : i32
    %dma_start3A_64 = tpu.memref_slice %arg5[%dma_start3A_56, %dma_start3A_57, %dma_start3A_63] : memref<2x64x128xi32, #tpu.memory_space<vmem>> -> memref<1x1x56xi32, #tpu.memory_space<vmem>>
    %dma_start3A_65 = tpu.memref_squeeze %dma_start3A_64 : memref<1x1x56xi32, #tpu.memory_space<vmem>> -> memref<56xi32, #tpu.memory_space<vmem>>
    %dma_start3A_66 = arith.constant 0 : i32
    %dma_start3A_67 = arith.constant 0 : i32
    %dma_start3A_68 = tpu.memref_slice %arg3[%dma_start3A_66, %dma_start3A_67] : memref<1000000x64xf32, #tpu.memory_space<hbm>> -> memref<1000000x64xf32, #tpu.memory_space<hbm>>
    tpu.enqueue_indirect_dma source(%dma_start3A_68 : memref<1000000x64xf32, #tpu.memory_space<hbm>>) target(%dma_start3A_62 : memref<56x64xf32, #tpu.memory_space<vmem>>) offsets(%dma_start3A_65 : memref<56xi32, #tpu.memory_space<vmem>>) semaphore(%arg12 : memref<!tpu.dma_semaphore, #tpu.memory_space<semaphore_mem>>)
    %dma_start3A_69 = arith.constant 0 : i32
    %dma_start3A_70 = arith.constant 5 : i32
    %dma_start3A_71 = arith.constant 5 : i32
    %dma_start3A_72 = arith.constant 0 : i32
    %dma_start3A_73 = arith.constant 0 : i32
    %dma_start3A_74 = tpu.memref_slice %arg6[%dma_start3A_71, %dma_start3A_72, %dma_start3A_73] : memref<8x56x64xf32, #tpu.memory_space<vmem>> -> memref<1x56x64xf32, #tpu.memory_space<vmem>>
    %dma_start3A_75 = tpu.memref_squeeze %dma_start3A_74 : memref<1x56x64xf32, #tpu.memory_space<vmem>> -> memref<56x64xf32, #tpu.memory_space<vmem>>
    %dma_start3A_76 = arith.constant 0 : i32
    %dma_start3A_77 = tpu.memref_slice %arg5[%dma_start3A_69, %dma_start3A_70, %dma_start3A_76] : memref<2x64x128xi32, #tpu.memory_space<vmem>> -> memref<1x1x56xi32, #tpu.memory_space<vmem>>
    %dma_start3A_78 = tpu.memref_squeeze %dma_start3A_77 : memref<1x1x56xi32, #tpu.memory_space<vmem>> -> memref<56xi32, #tpu.memory_space<vmem>>
    %dma_start3A_79 = arith.constant 0 : i32
    %dma_start3A_80 = arith.constant 0 : i32
    %dma_start3A_81 = tpu.memref_slice %arg3[%dma_start3A_79, %dma_start3A_80] : memref<1000000x64xf32, #tpu.memory_space<hbm>> -> memref<1000000x64xf32, #tpu.memory_space<hbm>>
    tpu.enqueue_indirect_dma source(%dma_start3A_81 : memref<1000000x64xf32, #tpu.memory_space<hbm>>) target(%dma_start3A_75 : memref<56x64xf32, #tpu.memory_space<vmem>>) offsets(%dma_start3A_78 : memref<56xi32, #tpu.memory_space<vmem>>) semaphore(%arg13 : memref<!tpu.dma_semaphore, #tpu.memory_space<semaphore_mem>>)
    %dma_start3A_82 = arith.constant 0 : i32
    %dma_start3A_83 = arith.constant 6 : i32
    %dma_start3A_84 = arith.constant 6 : i32
    %dma_start3A_85 = arith.constant 0 : i32
    %dma_start3A_86 = arith.constant 0 : i32
    %dma_start3A_87 = tpu.memref_slice %arg6[%dma_start3A_84, %dma_start3A_85, %dma_start3A_86] : memref<8x56x64xf32, #tpu.memory_space<vmem>> -> memref<1x56x64xf32, #tpu.memory_space<vmem>>
    %dma_start3A_88 = tpu.memref_squeeze %dma_start3A_87 : memref<1x56x64xf32, #tpu.memory_space<vmem>> -> memref<56x64xf32, #tpu.memory_space<vmem>>
    %dma_start3A_89 = arith.constant 0 : i32
    %dma_start3A_90 = tpu.memref_slice %arg5[%dma_start3A_82, %dma_start3A_83, %dma_start3A_89] : memref<2x64x128xi32, #tpu.memory_space<vmem>> -> memref<1x1x56xi32, #tpu.memory_space<vmem>>
    %dma_start3A_91 = tpu.memref_squeeze %dma_start3A_90 : memref<1x1x56xi32, #tpu.memory_space<vmem>> -> memref<56xi32, #tpu.memory_space<vmem>>
    %dma_start3A_92 = arith.constant 0 : i32
    %dma_start3A_93 = arith.constant 0 : i32
    %dma_start3A_94 = tpu.memref_slice %arg3[%dma_start3A_92, %dma_start3A_93] : memref<1000000x64xf32, #tpu.memory_space<hbm>> -> memref<1000000x64xf32, #tpu.memory_space<hbm>>
    tpu.enqueue_indirect_dma source(%dma_start3A_94 : memref<1000000x64xf32, #tpu.memory_space<hbm>>) target(%dma_start3A_88 : memref<56x64xf32, #tpu.memory_space<vmem>>) offsets(%dma_start3A_91 : memref<56xi32, #tpu.memory_space<vmem>>) semaphore(%arg14 : memref<!tpu.dma_semaphore, #tpu.memory_space<semaphore_mem>>)
    %scan3A = arith.constant 0 : i32
    %scan3A_95 = arith.constant 0 : i32
    %scan3A_96 = arith.constant 8 : i32
    %scan3A_97 = arith.addi %scan3A_95, %scan3A_96 : i32
    %scan3A_98 = arith.constant 1 : i32
    scf.for %scan3A_100 = %scan3A_95 to %scan3A_97 step %scan3A_98  : i32 {
      %rem3A = arith.constant 2 : i32
      %rem3A_101 = arith.remsi %scan3A_100, %rem3A : i32
      %add3A_102 = arith.constant 1 : i32
      %add3A_103 = arith.addi %scan3A_100, %add3A_102 : i32
      %rem3A_104 = arith.constant 2 : i32
      %rem3A_105 = arith.remsi %add3A_103, %rem3A_104 : i32
      %add3A_106 = arith.constant 1 : i32
      %add3A_107 = arith.addi %scan3A_100, %add3A_106 : i32
      %lt3A = arith.constant 8 : i32
      %lt3A_108 = arith.cmpi slt, %add3A_107, %lt3A : i32
      %convert_element_type3A = arith.extui %lt3A_108 : i1 to i32
      %cond3A = arith.constant 0 : i32
      %cond3A_109 = arith.cmpi ne, %convert_element_type3A, %cond3A : i32
      scf.if %cond3A_109 {
        %add3A_116 = arith.constant 1 : i32
        %add3A_117 = arith.addi %scan3A_100, %add3A_116 : i32
        %mul3A_118 = arith.constant 64 : i32
        %mul3A_119 = arith.muli %add3A_117, %mul3A_118 : i32
        %add3A_120 = arith.addi %mul3A_2, %mul3A_119 : i32
        "tpu.region"() ({
          %run_scoped3A_121 = tpu.sem_alloc : memref<!tpu.dma_semaphore, #tpu.memory_space<semaphore_mem>>
          %dma_start3A_122 = arith.constant 0 : i32
          %dma_start3A_123 = arith.constant 0 : i32
          %dma_start3A_124 = tpu.memref_slice %arg5[%rem3A_105, %dma_start3A_122, %dma_start3A_123] : memref<2x64x128xi32, #tpu.memory_space<vmem>> -> memref<1x64x128xi32, #tpu.memory_space<vmem>>
          %dma_start3A_125 = tpu.memref_squeeze %dma_start3A_124 : memref<1x64x128xi32, #tpu.memory_space<vmem>> -> memref<64x128xi32, #tpu.memory_space<vmem>>
          %dma_start3A_126 = arith.constant 0 : i32
          %dma_start3A_127 = tpu.memref_slice %arg2[%add3A_120, %dma_start3A_126] : memref<16384x128xi32, #tpu.memory_space<hbm>> -> memref<64x128xi32, #tpu.memory_space<hbm>>
          %dma_start3A_128 = arith.constant 0 : i32
          %dma_start3A_129 = arith.constant 0 : i32
          %dma_start3A_130 = tpu.memref_slice %arg5[%rem3A_105, %dma_start3A_128, %dma_start3A_129] : memref<2x64x128xi32, #tpu.memory_space<vmem>> -> memref<1x64x128xi32, #tpu.memory_space<vmem>>
          %dma_start3A_131 = tpu.memref_squeeze %dma_start3A_130 : memref<1x64x128xi32, #tpu.memory_space<vmem>> -> memref<64x128xi32, #tpu.memory_space<vmem>>
          %dma_start3A_132 = arith.constant 0 : i32
          %dma_start3A_133 = tpu.memref_slice %arg2[%add3A_120, %dma_start3A_132] : memref<16384x128xi32, #tpu.memory_space<hbm>> -> memref<64x128xi32, #tpu.memory_space<hbm>>
          tpu.enqueue_dma source(%dma_start3A_133 : memref<64x128xi32, #tpu.memory_space<hbm>>) target(%dma_start3A_131 : memref<64x128xi32, #tpu.memory_space<vmem>>) target_semaphore(%run_scoped3A_121 : memref<!tpu.dma_semaphore, #tpu.memory_space<semaphore_mem>>)
          %dma_wait3A = arith.constant 0 : i32
          %dma_wait3A_134 = arith.constant 0 : i32
          %dma_wait3A_135 = tpu.memref_slice %arg5[%rem3A_105, %dma_wait3A, %dma_wait3A_134] : memref<2x64x128xi32, #tpu.memory_space<vmem>> -> memref<1x64x128xi32, #tpu.memory_space<vmem>>
          %dma_wait3A_136 = tpu.memref_squeeze %dma_wait3A_135 : memref<1x64x128xi32, #tpu.memory_space<vmem>> -> memref<64x128xi32, #tpu.memory_space<vmem>>
          %dma_wait3A_137 = arith.constant 0 : i32
          %dma_wait3A_138 = tpu.memref_slice %arg2[%add3A_120, %dma_wait3A_137] : memref<16384x128xi32, #tpu.memory_space<hbm>> -> memref<64x128xi32, #tpu.memory_space<hbm>>
          %dma_wait3A_139 = arith.constant 0 : i32
          %dma_wait3A_140 = arith.constant 0 : i32
          %dma_wait3A_141 = tpu.memref_slice %arg5[%rem3A_105, %dma_wait3A_139, %dma_wait3A_140] : memref<2x64x128xi32, #tpu.memory_space<vmem>> -> memref<1x64x128xi32, #tpu.memory_space<vmem>>
          %dma_wait3A_142 = tpu.memref_squeeze %dma_wait3A_141 : memref<1x64x128xi32, #tpu.memory_space<vmem>> -> memref<64x128xi32, #tpu.memory_space<vmem>>
          %dma_wait3A_143 = arith.constant 0 : i32
          %dma_wait3A_144 = tpu.memref_slice %arg2[%add3A_120, %dma_wait3A_143] : memref<16384x128xi32, #tpu.memory_space<hbm>> -> memref<64x128xi32, #tpu.memory_space<hbm>>
          tpu.wait_dma2 semaphore(%run_scoped3A_121 : memref<!tpu.dma_semaphore, #tpu.memory_space<semaphore_mem>>) src(%dma_wait3A_144 : memref<64x128xi32, #tpu.memory_space<hbm>>) dst(%dma_wait3A_142 : memref<64x128xi32, #tpu.memory_space<vmem>>)
          tpu.yield
        }) : () -> ()
      } else {
      }
      %scan3A_110 = arith.constant 0 : i32
      %scan3A_111 = arith.constant 0 : i32
      %scan3A_112 = arith.constant 8 : i32
      %scan3A_113 = arith.addi %scan3A_111, %scan3A_112 : i32
      %scan3A_114 = arith.constant 1 : i32
      scf.for %scan3A_116 = %scan3A_111 to %scan3A_113 step %scan3A_114  : i32 {
        %mul3A_117 = arith.constant 8 : i32
        %mul3A_118 = arith.muli %scan3A_116, %mul3A_117 : i32
        %add3A_119 = arith.constant 0 : i32
        %add3A_120 = arith.addi %mul3A_118, %add3A_119 : i32
        %mul3A_121 = arith.constant 64 : i32
        %mul3A_122 = arith.muli %scan3A_100, %mul3A_121 : i32
        %add3A_123 = arith.addi %mul3A_122, %add3A_120 : i32
        %dma_wait3A = arith.constant 0 : i32
        %dma_wait3A_124 = arith.constant 0 : i32
        %dma_wait3A_125 = arith.constant 0 : i32
        %dma_wait3A_126 = tpu.memref_slice %arg6[%dma_wait3A, %dma_wait3A_124, %dma_wait3A_125] : memref<8x56x64xf32, #tpu.memory_space<vmem>> -> memref<1x56x64xf32, #tpu.memory_space<vmem>>
        %dma_wait3A_127 = tpu.memref_squeeze %dma_wait3A_126 : memref<1x56x64xf32, #tpu.memory_space<vmem>> -> memref<56x64xf32, #tpu.memory_space<vmem>>
        %dma_wait3A_128 = arith.constant 0 : i32
        %dma_wait3A_129 = tpu.memref_slice %arg5[%rem3A_101, %add3A_120, %dma_wait3A_128] : memref<2x64x128xi32, #tpu.memory_space<vmem>> -> memref<1x1x56xi32, #tpu.memory_space<vmem>>
        %dma_wait3A_130 = tpu.memref_squeeze %dma_wait3A_129 : memref<1x1x56xi32, #tpu.memory_space<vmem>> -> memref<56xi32, #tpu.memory_space<vmem>>
        %dma_wait3A_131 = arith.constant 0 : i32
        %dma_wait3A_132 = arith.constant 0 : i32
        %dma_wait3A_133 = tpu.memref_slice %arg3[%dma_wait3A_131, %dma_wait3A_132] : memref<1000000x64xf32, #tpu.memory_space<hbm>> -> memref<1000000x64xf32, #tpu.memory_space<hbm>>
        tpu.wait_indirect_dma semaphore(%arg8 : memref<!tpu.dma_semaphore, #tpu.memory_space<semaphore_mem>>) src(%dma_wait3A_133 : memref<1000000x64xf32, #tpu.memory_space<hbm>>) dst(%dma_wait3A_127 : memref<56x64xf32, #tpu.memory_space<vmem>>)
        %broadcast_in_dim3A = arith.constant 0.000000e+00 : f32
        %broadcast_in_dim3A_134 = vector.broadcast %broadcast_in_dim3A : f32 to vector<16xf32>
        %broadcast_in_dim3A_135 = arith.constant 0.000000e+00 : f32
        %broadcast_in_dim3A_136 = vector.broadcast %broadcast_in_dim3A_135 : f32 to vector<16xf32>
        %broadcast_in_dim3A_137 = arith.constant 0.000000e+00 : f32
        %broadcast_in_dim3A_138 = vector.broadcast %broadcast_in_dim3A_137 : f32 to vector<16xf32>
        %broadcast_in_dim3A_139 = arith.constant 0.000000e+00 : f32
        %broadcast_in_dim3A_140 = vector.broadcast %broadcast_in_dim3A_139 : f32 to vector<16xf32>
        %scan3A_141 = arith.constant 0 : i32
        %scan3A_142 = arith.constant 25 : i32
        %scan3A_143 = arith.addi %scan3A_141, %scan3A_142 : i32
        %scan3A_144 = arith.constant 1 : i32
        %scan3A_145:4 = scf.for %scan3A_855 = %scan3A_141 to %scan3A_143 step %scan3A_144 iter_args(%scan3A_856 = %broadcast_in_dim3A_134, %scan3A_857 = %broadcast_in_dim3A_136, %scan3A_858 = %broadcast_in_dim3A_138, %scan3A_859 = %broadcast_in_dim3A_140) -> (vector<16xf32>, vector<16xf32>, vector<16xf32>, vector<16xf32>)  : i32 {
          %mul3A_860 = arith.constant 2 : i32
          %mul3A_861 = arith.muli %mul3A_860, %scan3A_855 : i32
          %add3A_862 = arith.constant 0 : i32
          %add3A_863 = arith.addi %mul3A_861, %add3A_862 : i32
          %get3A = arith.constant 0 : i32
          %get3A_864 = arith.index_cast %get3A : i32 to index
          %get3A_865 = arith.index_cast %add3A_863 : i32 to index
          %get3A_866 = arith.constant 0 : index
          %get3A_867 = tpu.vector_load %arg6[%get3A_864, %get3A_865, %get3A_866] {strides = array<i32>} : memref<8x56x64xf32, #tpu.memory_space<vmem>>, vector<1x1x16xf32>,
          %get3A_868 = vector.shape_cast %get3A_867 : vector<1x1x16xf32> to vector<16xf32>
          %add3A_869 = arith.addf %scan3A_856, %get3A_868 : vector<16xf32>
          %get3A_870 = arith.constant 0 : i32
          %get3A_871 = arith.index_cast %get3A_870 : i32 to index
          %get3A_872 = arith.index_cast %add3A_863 : i32 to index
          %get3A_873 = arith.constant 16 : index
          %get3A_874 = tpu.vector_load %arg6[%get3A_871, %get3A_872, %get3A_873] {strides = array<i32>} : memref<8x56x64xf32, #tpu.memory_space<vmem>>, vector<1x1x16xf32>,
          %get3A_875 = vector.shape_cast %get3A_874 : vector<1x1x16xf32> to vector<16xf32>
          %add3A_876 = arith.addf %scan3A_857, %get3A_875 : vector<16xf32>
          %get3A_877 = arith.constant 0 : i32
          %get3A_878 = arith.index_cast %get3A_877 : i32 to index
          %get3A_879 = arith.index_cast %add3A_863 : i32 to index
          %get3A_880 = arith.constant 32 : index
          %get3A_881 = tpu.vector_load %arg6[%get3A_878, %get3A_879, %get3A_880] {strides = array<i32>} : memref<8x56x64xf32, #tpu.memory_space<vmem>>, vector<1x1x16xf32>,
          %get3A_882 = vector.shape_cast %get3A_881 : vector<1x1x16xf32> to vector<16xf32>
          %add3A_883 = arith.addf %scan3A_858, %get3A_882 : vector<16xf32>
          %get3A_884 = arith.constant 0 : i32
          %get3A_885 = arith.index_cast %get3A_884 : i32 to index
          %get3A_886 = arith.index_cast %add3A_863 : i32 to index
          %get3A_887 = arith.constant 48 : index
          %get3A_888 = tpu.vector_load %arg6[%get3A_885, %get3A_886, %get3A_887] {strides = array<i32>} : memref<8x56x64xf32, #tpu.memory_space<vmem>>, vector<1x1x16xf32>,
          %get3A_889 = vector.shape_cast %get3A_888 : vector<1x1x16xf32> to vector<16xf32>
          %add3A_890 = arith.addf %scan3A_859, %get3A_889 : vector<16xf32>
          %mul3A_891 = arith.constant 2 : i32
          %mul3A_892 = arith.muli %mul3A_891, %scan3A_855 : i32
          %add3A_893 = arith.constant 1 : i32
          %add3A_894 = arith.addi %mul3A_892, %add3A_893 : i32
          %get3A_895 = arith.constant 0 : i32
          %get3A_896 = arith.index_cast %get3A_895 : i32 to index
          %get3A_897 = arith.index_cast %add3A_894 : i32 to index
          %get3A_898 = arith.constant 0 : index
          %get3A_899 = tpu.vector_load %arg6[%get3A_896, %get3A_897, %get3A_898] {strides = array<i32>} : memref<8x56x64xf32, #tpu.memory_space<vmem>>, vector<1x1x16xf32>,
          %get3A_900 = vector.shape_cast %get3A_899 : vector<1x1x16xf32> to vector<16xf32>
          %add3A_901 = arith.addf %add3A_869, %get3A_900 : vector<16xf32>
          %get3A_902 = arith.constant 0 : i32
          %get3A_903 = arith.index_cast %get3A_902 : i32 to index
          %get3A_904 = arith.index_cast %add3A_894 : i32 to index
          %get3A_905 = arith.constant 16 : index
          %get3A_906 = tpu.vector_load %arg6[%get3A_903, %get3A_904, %get3A_905] {strides = array<i32>} : memref<8x56x64xf32, #tpu.memory_space<vmem>>, vector<1x1x16xf32>,
          %get3A_907 = vector.shape_cast %get3A_906 : vector<1x1x16xf32> to vector<16xf32>
          %add3A_908 = arith.addf %add3A_876, %get3A_907 : vector<16xf32>
          %get3A_909 = arith.constant 0 : i32
          %get3A_910 = arith.index_cast %get3A_909 : i32 to index
          %get3A_911 = arith.index_cast %add3A_894 : i32 to index
          %get3A_912 = arith.constant 32 : index
          %get3A_913 = tpu.vector_load %arg6[%get3A_910, %get3A_911, %get3A_912] {strides = array<i32>} : memref<8x56x64xf32, #tpu.memory_space<vmem>>, vector<1x1x16xf32>,
          %get3A_914 = vector.shape_cast %get3A_913 : vector<1x1x16xf32> to vector<16xf32>
          %add3A_915 = arith.addf %add3A_883, %get3A_914 : vector<16xf32>
          %get3A_916 = arith.constant 0 : i32
          %get3A_917 = arith.index_cast %get3A_916 : i32 to index
          %get3A_918 = arith.index_cast %add3A_894 : i32 to index
          %get3A_919 = arith.constant 48 : index
          %get3A_920 = tpu.vector_load %arg6[%get3A_917, %get3A_918, %get3A_919] {strides = array<i32>} : memref<8x56x64xf32, #tpu.memory_space<vmem>>, vector<1x1x16xf32>,
          %get3A_921 = vector.shape_cast %get3A_920 : vector<1x1x16xf32> to vector<16xf32>
          %add3A_922 = arith.addf %add3A_890, %get3A_921 : vector<16xf32>
          scf.yield %add3A_901, %add3A_908, %add3A_915, %add3A_922 : vector<16xf32>, vector<16xf32>, vector<16xf32>, vector<16xf32>
        }
        %scan3A_146 = arith.constant 25 : i32
        %broadcast_in_dim3A_147 = arith.constant 0.000000e+00 : f32
        %broadcast_in_dim3A_148 = vector.broadcast %broadcast_in_dim3A_147 : f32 to vector<16xf32>
        %swap3A = arith.index_cast %add3A_123 : i32 to index
        %swap3A_149 = arith.constant 0 : index
        %swap3A_150 = tpu.vector_load %arg7[%swap3A, %swap3A_149] {strides = array<i32>} : memref<512x128xf32, #tpu.memory_space<vmem>>, vector<1x16xf32>,
        %swap3A_151 = vector.shape_cast %swap3A_150 : vector<1x16xf32> to vector<16xf32>
        %swap3A_152 = vector.shape_cast %scan3A_145#0 : vector<16xf32> to vector<1x16xf32>
        tpu.vector_store %arg7[%swap3A, %swap3A_149], %swap3A_152 {strides = array<i32>} : memref<512x128xf32, #tpu.memory_space<vmem>>, vector<1x16xf32>,
        %swap3A_153 = arith.index_cast %add3A_123 : i32 to index
        %swap3A_154 = arith.constant 16 : index
        %swap3A_155 = tpu.vector_load %arg7[%swap3A_153, %swap3A_154] {strides = array<i32>} : memref<512x128xf32, #tpu.memory_space<vmem>>, vector<1x16xf32>,
        %swap3A_156 = vector.shape_cast %swap3A_155 : vector<1x16xf32> to vector<16xf32>
        %swap3A_157 = vector.shape_cast %scan3A_145#1 : vector<16xf32> to vector<1x16xf32>
        tpu.vector_store %arg7[%swap3A_153, %swap3A_154], %swap3A_157 {strides = array<i32>} : memref<512x128xf32, #tpu.memory_space<vmem>>, vector<1x16xf32>,
        %swap3A_158 = arith.index_cast %add3A_123 : i32 to index
        %swap3A_159 = arith.constant 32 : index
        %swap3A_160 = tpu.vector_load %arg7[%swap3A_158, %swap3A_159] {strides = array<i32>} : memref<512x128xf32, #tpu.memory_space<vmem>>, vector<1x16xf32>,
        %swap3A_161 = vector.shape_cast %swap3A_160 : vector<1x16xf32> to vector<16xf32>
        %swap3A_162 = vector.shape_cast %scan3A_145#2 : vector<16xf32> to vector<1x16xf32>
        tpu.vector_store %arg7[%swap3A_158, %swap3A_159], %swap3A_162 {strides = array<i32>} : memref<512x128xf32, #tpu.memory_space<vmem>>, vector<1x16xf32>,
        %swap3A_163 = arith.index_cast %add3A_123 : i32 to index
        %swap3A_164 = arith.constant 48 : index
        %swap3A_165 = tpu.vector_load %arg7[%swap3A_163, %swap3A_164] {strides = array<i32>} : memref<512x128xf32, #tpu.memory_space<vmem>>, vector<1x16xf32>,
        %swap3A_166 = vector.shape_cast %swap3A_165 : vector<1x16xf32> to vector<16xf32>
        %swap3A_167 = vector.shape_cast %scan3A_145#3 : vector<16xf32> to vector<1x16xf32>
        tpu.vector_store %arg7[%swap3A_163, %swap3A_164], %swap3A_167 {strides = array<i32>} : memref<512x128xf32, #tpu.memory_space<vmem>>, vector<1x16xf32>,
        %swap3A_168 = arith.index_cast %add3A_123 : i32 to index
        %swap3A_169 = arith.constant 64 : index
        %swap3A_170 = tpu.vector_load %arg7[%swap3A_168, %swap3A_169] {strides = array<i32>} : memref<512x128xf32, #tpu.memory_space<vmem>>, vector<1x16xf32>,
        %swap3A_171 = vector.shape_cast %swap3A_170 : vector<1x16xf32> to vector<16xf32>
        %swap3A_172 = vector.shape_cast %broadcast_in_dim3A_148 : vector<16xf32> to vector<1x16xf32>
        tpu.vector_store %arg7[%swap3A_168, %swap3A_169], %swap3A_172 {strides = array<i32>} : memref<512x128xf32, #tpu.memory_space<vmem>>, vector<1x16xf32>,
        %swap3A_173 = arith.index_cast %add3A_123 : i32 to index
        %swap3A_174 = arith.constant 80 : index
        %swap3A_175 = tpu.vector_load %arg7[%swap3A_173, %swap3A_174] {strides = array<i32>} : memref<512x128xf32, #tpu.memory_space<vmem>>, vector<1x16xf32>,
        %swap3A_176 = vector.shape_cast %swap3A_175 : vector<1x16xf32> to vector<16xf32>
        %swap3A_177 = vector.shape_cast %broadcast_in_dim3A_148 : vector<16xf32> to vector<1x16xf32>
        tpu.vector_store %arg7[%swap3A_173, %swap3A_174], %swap3A_177 {strides = array<i32>} : memref<512x128xf32, #tpu.memory_space<vmem>>, vector<1x16xf32>,
        %swap3A_178 = arith.index_cast %add3A_123 : i32 to index
        %swap3A_179 = arith.constant 96 : index
        %swap3A_180 = tpu.vector_load %arg7[%swap3A_178, %swap3A_179] {strides = array<i32>} : memref<512x128xf32, #tpu.memory_space<vmem>>, vector<1x16xf32>,
        %swap3A_181 = vector.shape_cast %swap3A_180 : vector<1x16xf32> to vector<16xf32>
        %swap3A_182 = vector.shape_cast %broadcast_in_dim3A_148 : vector<16xf32> to vector<1x16xf32>
        tpu.vector_store %arg7[%swap3A_178, %swap3A_179], %swap3A_182 {strides = array<i32>} : memref<512x128xf32, #tpu.memory_space<vmem>>, vector<1x16xf32>,
        %swap3A_183 = arith.index_cast %add3A_123 : i32 to index
        %swap3A_184 = arith.constant 112 : index
        %swap3A_185 = tpu.vector_load %arg7[%swap3A_183, %swap3A_184] {strides = array<i32>} : memref<512x128xf32, #tpu.memory_space<vmem>>, vector<1x16xf32>,
        %swap3A_186 = vector.shape_cast %swap3A_185 : vector<1x16xf32> to vector<16xf32>
        %swap3A_187 = vector.shape_cast %broadcast_in_dim3A_148 : vector<16xf32> to vector<1x16xf32>
        tpu.vector_store %arg7[%swap3A_183, %swap3A_184], %swap3A_187 {strides = array<i32>} : memref<512x128xf32, #tpu.memory_space<vmem>>, vector<1x16xf32>,
        %add3A_188 = arith.constant 8 : i32
        %add3A_189 = arith.addi %add3A_120, %add3A_188 : i32
        %sub3A = arith.constant 1 : i32
        %sub3A_190 = arith.subi %add3A_189, %sub3A : i32
        %lt3A_191 = arith.constant 64 : i32
        %lt3A_192 = arith.cmpi slt, %sub3A_190, %lt3A_191 : i32
        %convert_element_type3A_193 = arith.extui %lt3A_192 : i1 to i32
        %cond3A_194 = arith.constant 0 : i32
        %cond3A_195 = arith.cmpi ne, %convert_element_type3A_193, %cond3A_194 : i32
        scf.if %cond3A_195 {
          %dma_start3A_855 = arith.constant 7 : i32
          %dma_start3A_856 = arith.constant 0 : i32
          %dma_start3A_857 = arith.constant 0 : i32
          %dma_start3A_858 = tpu.memref_slice %arg6[%dma_start3A_855, %dma_start3A_856, %dma_start3A_857] : memref<8x56x64xf32, #tpu.memory_space<vmem>> -> memref<1x56x64xf32, #tpu.memory_space<vmem>>
          %dma_start3A_859 = tpu.memref_squeeze %dma_start3A_858 : memref<1x56x64xf32, #tpu.memory_space<vmem>> -> memref<56x64xf32, #tpu.memory_space<vmem>>
          %dma_start3A_860 = arith.constant 0 : i32
          %dma_start3A_861 = tpu.memref_slice %arg5[%rem3A_101, %sub3A_190, %dma_start3A_860] : memref<2x64x128xi32, #tpu.memory_space<vmem>> -> memref<1x1x56xi32, #tpu.memory_space<vmem>>
          %dma_start3A_862 = tpu.memref_squeeze %dma_start3A_861 : memref<1x1x56xi32, #tpu.memory_space<vmem>> -> memref<56xi32, #tpu.memory_space<vmem>>
          %dma_start3A_863 = arith.constant 0 : i32
          %dma_start3A_864 = arith.constant 0 : i32
          %dma_start3A_865 = tpu.memref_slice %arg3[%dma_start3A_863, %dma_start3A_864] : memref<1000000x64xf32, #tpu.memory_space<hbm>> -> memref<1000000x64xf32, #tpu.memory_space<hbm>>
          tpu.enqueue_indirect_dma source(%dma_start3A_865 : memref<1000000x64xf32, #tpu.memory_space<hbm>>) target(%dma_start3A_859 : memref<56x64xf32, #tpu.memory_space<vmem>>) offsets(%dma_start3A_862 : memref<56xi32, #tpu.memory_space<vmem>>) semaphore(%arg15 : memref<!tpu.dma_semaphore, #tpu.memory_space<semaphore_mem>>)
        } else {
        }
        %ge3A = arith.constant 64 : i32
        %ge3A_196 = arith.cmpi sge, %sub3A_190, %ge3A : i32
        %add3A_197 = arith.constant 1 : i32
        %add3A_198 = arith.addi %scan3A_100, %add3A_197 : i32
        %lt3A_199 = arith.constant 8 : i32
        %lt3A_200 = arith.cmpi slt, %add3A_198, %lt3A_199 : i32
        %and3A = arith.andi %ge3A_196, %lt3A_200 : i1
        %convert_element_type3A_201 = arith.extui %and3A : i1 to i32
        %cond3A_202 = arith.constant 0 : i32
        %cond3A_203 = arith.cmpi ne, %convert_element_type3A_201, %cond3A_202 : i32
        scf.if %cond3A_203 {
          %sub3A_855 = arith.constant 64 : i32
          %sub3A_856 = arith.subi %sub3A_190, %sub3A_855 : i32
          %dma_start3A_857 = arith.constant 7 : i32
          %dma_start3A_858 = arith.constant 0 : i32
          %dma_start3A_859 = arith.constant 0 : i32
          %dma_start3A_860 = tpu.memref_slice %arg6[%dma_start3A_857, %dma_start3A_858, %dma_start3A_859] : memref<8x56x64xf32, #tpu.memory_space<vmem>> -> memref<1x56x64xf32, #tpu.memory_space<vmem>>
          %dma_start3A_861 = tpu.memref_squeeze %dma_start3A_860 : memref<1x56x64xf32, #tpu.memory_space<vmem>> -> memref<56x64xf32, #tpu.memory_space<vmem>>
          %dma_start3A_862 = arith.constant 0 : i32
          %dma_start3A_863 = tpu.memref_slice %arg5[%rem3A_105, %sub3A_856, %dma_start3A_862] : memref<2x64x128xi32, #tpu.memory_space<vmem>> -> memref<1x1x56xi32, #tpu.memory_space<vmem>>
          %dma_start3A_864 = tpu.memref_squeeze %dma_start3A_863 : memref<1x1x56xi32, #tpu.memory_space<vmem>> -> memref<56xi32, #tpu.memory_space<vmem>>
          %dma_start3A_865 = arith.constant 0 : i32
          %dma_start3A_866 = arith.constant 0 : i32
          %dma_start3A_867 = tpu.memref_slice %arg3[%dma_start3A_865, %dma_start3A_866] : memref<1000000x64xf32, #tpu.memory_space<hbm>> -> memref<1000000x64xf32, #tpu.memory_space<hbm>>
          tpu.enqueue_indirect_dma source(%dma_start3A_867 : memref<1000000x64xf32, #tpu.memory_space<hbm>>) target(%dma_start3A_861 : memref<56x64xf32, #tpu.memory_space<vmem>>) offsets(%dma_start3A_864 : memref<56xi32, #tpu.memory_space<vmem>>) semaphore(%arg15 : memref<!tpu.dma_semaphore, #tpu.memory_space<semaphore_mem>>)
        } else {
        }
        %mul3A_204 = arith.constant 8 : i32
        %mul3A_205 = arith.muli %scan3A_116, %mul3A_204 : i32
        %add3A_206 = arith.constant 1 : i32
        %add3A_207 = arith.addi %mul3A_205, %add3A_206 : i32
        %mul3A_208 = arith.constant 64 : i32
        %mul3A_209 = arith.muli %scan3A_100, %mul3A_208 : i32
        %add3A_210 = arith.addi %mul3A_209, %add3A_207 : i32
        %dma_wait3A_211 = arith.constant 1 : i32
        %dma_wait3A_212 = arith.constant 0 : i32
        %dma_wait3A_213 = arith.constant 0 : i32
        %dma_wait3A_214 = tpu.memref_slice %arg6[%dma_wait3A_211, %dma_wait3A_212, %dma_wait3A_213] : memref<8x56x64xf32, #tpu.memory_space<vmem>> -> memref<1x56x64xf32, #tpu.memory_space<vmem>>
        %dma_wait3A_215 = tpu.memref_squeeze %dma_wait3A_214 : memref<1x56x64xf32, #tpu.memory_space<vmem>> -> memref<56x64xf32, #tpu.memory_space<vmem>>
        %dma_wait3A_216 = arith.constant 0 : i32
        %dma_wait3A_217 = tpu.memref_slice %arg5[%rem3A_101, %add3A_207, %dma_wait3A_216] : memref<2x64x128xi32, #tpu.memory_space<vmem>> -> memref<1x1x56xi32, #tpu.memory_space<vmem>>
        %dma_wait3A_218 = tpu.memref_squeeze %dma_wait3A_217 : memref<1x1x56xi32, #tpu.memory_space<vmem>> -> memref<56xi32, #tpu.memory_space<vmem>>
        %dma_wait3A_219 = arith.constant 0 : i32
        %dma_wait3A_220 = arith.constant 0 : i32
        %dma_wait3A_221 = tpu.memref_slice %arg3[%dma_wait3A_219, %dma_wait3A_220] : memref<1000000x64xf32, #tpu.memory_space<hbm>> -> memref<1000000x64xf32, #tpu.memory_space<hbm>>
        tpu.wait_indirect_dma semaphore(%arg9 : memref<!tpu.dma_semaphore, #tpu.memory_space<semaphore_mem>>) src(%dma_wait3A_221 : memref<1000000x64xf32, #tpu.memory_space<hbm>>) dst(%dma_wait3A_215 : memref<56x64xf32, #tpu.memory_space<vmem>>)
        %broadcast_in_dim3A_222 = arith.constant 0.000000e+00 : f32
        %broadcast_in_dim3A_223 = vector.broadcast %broadcast_in_dim3A_222 : f32 to vector<16xf32>
        %broadcast_in_dim3A_224 = arith.constant 0.000000e+00 : f32
        %broadcast_in_dim3A_225 = vector.broadcast %broadcast_in_dim3A_224 : f32 to vector<16xf32>
        %broadcast_in_dim3A_226 = arith.constant 0.000000e+00 : f32
        %broadcast_in_dim3A_227 = vector.broadcast %broadcast_in_dim3A_226 : f32 to vector<16xf32>
        %broadcast_in_dim3A_228 = arith.constant 0.000000e+00 : f32
        %broadcast_in_dim3A_229 = vector.broadcast %broadcast_in_dim3A_228 : f32 to vector<16xf32>
        %scan3A_230 = arith.constant 0 : i32
        %scan3A_231 = arith.constant 25 : i32
        %scan3A_232 = arith.addi %scan3A_230, %scan3A_231 : i32
        %scan3A_233 = arith.constant 1 : i32
        %scan3A_234:4 = scf.for %scan3A_855 = %scan3A_230 to %scan3A_232 step %scan3A_233 iter_args(%scan3A_856 = %broadcast_in_dim3A_223, %scan3A_857 = %broadcast_in_dim3A_225, %scan3A_858 = %broadcast_in_dim3A_227, %scan3A_859 = %broadcast_in_dim3A_229) -> (vector<16xf32>, vector<16xf32>, vector<16xf32>, vector<16xf32>)  : i32 {
          %mul3A_860 = arith.constant 2 : i32
          %mul3A_861 = arith.muli %mul3A_860, %scan3A_855 : i32
          %add3A_862 = arith.constant 0 : i32
          %add3A_863 = arith.addi %mul3A_861, %add3A_862 : i32
          %get3A = arith.constant 1 : i32
          %get3A_864 = arith.index_cast %get3A : i32 to index
          %get3A_865 = arith.index_cast %add3A_863 : i32 to index
          %get3A_866 = arith.constant 0 : index
          %get3A_867 = tpu.vector_load %arg6[%get3A_864, %get3A_865, %get3A_866] {strides = array<i32>} : memref<8x56x64xf32, #tpu.memory_space<vmem>>, vector<1x1x16xf32>,
          %get3A_868 = vector.shape_cast %get3A_867 : vector<1x1x16xf32> to vector<16xf32>
          %add3A_869 = arith.addf %scan3A_856, %get3A_868 : vector<16xf32>
          %get3A_870 = arith.constant 1 : i32
          %get3A_871 = arith.index_cast %get3A_870 : i32 to index
          %get3A_872 = arith.index_cast %add3A_863 : i32 to index
          %get3A_873 = arith.constant 16 : index
          %get3A_874 = tpu.vector_load %arg6[%get3A_871, %get3A_872, %get3A_873] {strides = array<i32>} : memref<8x56x64xf32, #tpu.memory_space<vmem>>, vector<1x1x16xf32>,
          %get3A_875 = vector.shape_cast %get3A_874 : vector<1x1x16xf32> to vector<16xf32>
          %add3A_876 = arith.addf %scan3A_857, %get3A_875 : vector<16xf32>
          %get3A_877 = arith.constant 1 : i32
          %get3A_878 = arith.index_cast %get3A_877 : i32 to index
          %get3A_879 = arith.index_cast %add3A_863 : i32 to index
          %get3A_880 = arith.constant 32 : index
          %get3A_881 = tpu.vector_load %arg6[%get3A_878, %get3A_879, %get3A_880] {strides = array<i32>} : memref<8x56x64xf32, #tpu.memory_space<vmem>>, vector<1x1x16xf32>,
          %get3A_882 = vector.shape_cast %get3A_881 : vector<1x1x16xf32> to vector<16xf32>
          %add3A_883 = arith.addf %scan3A_858, %get3A_882 : vector<16xf32>
          %get3A_884 = arith.constant 1 : i32
          %get3A_885 = arith.index_cast %get3A_884 : i32 to index
          %get3A_886 = arith.index_cast %add3A_863 : i32 to index
          %get3A_887 = arith.constant 48 : index
          %get3A_888 = tpu.vector_load %arg6[%get3A_885, %get3A_886, %get3A_887] {strides = array<i32>} : memref<8x56x64xf32, #tpu.memory_space<vmem>>, vector<1x1x16xf32>,
          %get3A_889 = vector.shape_cast %get3A_888 : vector<1x1x16xf32> to vector<16xf32>
          %add3A_890 = arith.addf %scan3A_859, %get3A_889 : vector<16xf32>
          %mul3A_891 = arith.constant 2 : i32
          %mul3A_892 = arith.muli %mul3A_891, %scan3A_855 : i32
          %add3A_893 = arith.constant 1 : i32
          %add3A_894 = arith.addi %mul3A_892, %add3A_893 : i32
          %get3A_895 = arith.constant 1 : i32
          %get3A_896 = arith.index_cast %get3A_895 : i32 to index
          %get3A_897 = arith.index_cast %add3A_894 : i32 to index
          %get3A_898 = arith.constant 0 : index
          %get3A_899 = tpu.vector_load %arg6[%get3A_896, %get3A_897, %get3A_898] {strides = array<i32>} : memref<8x56x64xf32, #tpu.memory_space<vmem>>, vector<1x1x16xf32>,
          %get3A_900 = vector.shape_cast %get3A_899 : vector<1x1x16xf32> to vector<16xf32>
          %add3A_901 = arith.addf %add3A_869, %get3A_900 : vector<16xf32>
          %get3A_902 = arith.constant 1 : i32
          %get3A_903 = arith.index_cast %get3A_902 : i32 to index
          %get3A_904 = arith.index_cast %add3A_894 : i32 to index
          %get3A_905 = arith.constant 16 : index
          %get3A_906 = tpu.vector_load %arg6[%get3A_903, %get3A_904, %get3A_905] {strides = array<i32>} : memref<8x56x64xf32, #tpu.memory_space<vmem>>, vector<1x1x16xf32>,
          %get3A_907 = vector.shape_cast %get3A_906 : vector<1x1x16xf32> to vector<16xf32>
          %add3A_908 = arith.addf %add3A_876, %get3A_907 : vector<16xf32>
          %get3A_909 = arith.constant 1 : i32
          %get3A_910 = arith.index_cast %get3A_909 : i32 to index
          %get3A_911 = arith.index_cast %add3A_894 : i32 to index
          %get3A_912 = arith.constant 32 : index
          %get3A_913 = tpu.vector_load %arg6[%get3A_910, %get3A_911, %get3A_912] {strides = array<i32>} : memref<8x56x64xf32, #tpu.memory_space<vmem>>, vector<1x1x16xf32>,
          %get3A_914 = vector.shape_cast %get3A_913 : vector<1x1x16xf32> to vector<16xf32>
          %add3A_915 = arith.addf %add3A_883, %get3A_914 : vector<16xf32>
          %get3A_916 = arith.constant 1 : i32
          %get3A_917 = arith.index_cast %get3A_916 : i32 to index
          %get3A_918 = arith.index_cast %add3A_894 : i32 to index
          %get3A_919 = arith.constant 48 : index
          %get3A_920 = tpu.vector_load %arg6[%get3A_917, %get3A_918, %get3A_919] {strides = array<i32>} : memref<8x56x64xf32, #tpu.memory_space<vmem>>, vector<1x1x16xf32>,
          %get3A_921 = vector.shape_cast %get3A_920 : vector<1x1x16xf32> to vector<16xf32>
          %add3A_922 = arith.addf %add3A_890, %get3A_921 : vector<16xf32>
          scf.yield %add3A_901, %add3A_908, %add3A_915, %add3A_922 : vector<16xf32>, vector<16xf32>, vector<16xf32>, vector<16xf32>
        }
        %scan3A_235 = arith.constant 25 : i32
        %broadcast_in_dim3A_236 = arith.constant 0.000000e+00 : f32
        %broadcast_in_dim3A_237 = vector.broadcast %broadcast_in_dim3A_236 : f32 to vector<16xf32>
        %swap3A_238 = arith.index_cast %add3A_210 : i32 to index
        %swap3A_239 = arith.constant 0 : index
        %swap3A_240 = tpu.vector_load %arg7[%swap3A_238, %swap3A_239] {strides = array<i32>} : memref<512x128xf32, #tpu.memory_space<vmem>>, vector<1x16xf32>,
        %swap3A_241 = vector.shape_cast %swap3A_240 : vector<1x16xf32> to vector<16xf32>
        %swap3A_242 = vector.shape_cast %scan3A_234#0 : vector<16xf32> to vector<1x16xf32>
        tpu.vector_store %arg7[%swap3A_238, %swap3A_239], %swap3A_242 {strides = array<i32>} : memref<512x128xf32, #tpu.memory_space<vmem>>, vector<1x16xf32>,
        %swap3A_243 = arith.index_cast %add3A_210 : i32 to index
        %swap3A_244 = arith.constant 16 : index
        %swap3A_245 = tpu.vector_load %arg7[%swap3A_243, %swap3A_244] {strides = array<i32>} : memref<512x128xf32, #tpu.memory_space<vmem>>, vector<1x16xf32>,
        %swap3A_246 = vector.shape_cast %swap3A_245 : vector<1x16xf32> to vector<16xf32>
        %swap3A_247 = vector.shape_cast %scan3A_234#1 : vector<16xf32> to vector<1x16xf32>
        tpu.vector_store %arg7[%swap3A_243, %swap3A_244], %swap3A_247 {strides = array<i32>} : memref<512x128xf32, #tpu.memory_space<vmem>>, vector<1x16xf32>,
        %swap3A_248 = arith.index_cast %add3A_210 : i32 to index
        %swap3A_249 = arith.constant 32 : index
        %swap3A_250 = tpu.vector_load %arg7[%swap3A_248, %swap3A_249] {strides = array<i32>} : memref<512x128xf32, #tpu.memory_space<vmem>>, vector<1x16xf32>,
        %swap3A_251 = vector.shape_cast %swap3A_250 : vector<1x16xf32> to vector<16xf32>
        %swap3A_252 = vector.shape_cast %scan3A_234#2 : vector<16xf32> to vector<1x16xf32>
        tpu.vector_store %arg7[%swap3A_248, %swap3A_249], %swap3A_252 {strides = array<i32>} : memref<512x128xf32, #tpu.memory_space<vmem>>, vector<1x16xf32>,
        %swap3A_253 = arith.index_cast %add3A_210 : i32 to index
        %swap3A_254 = arith.constant 48 : index
        %swap3A_255 = tpu.vector_load %arg7[%swap3A_253, %swap3A_254] {strides = array<i32>} : memref<512x128xf32, #tpu.memory_space<vmem>>, vector<1x16xf32>,
        %swap3A_256 = vector.shape_cast %swap3A_255 : vector<1x16xf32> to vector<16xf32>
        %swap3A_257 = vector.shape_cast %scan3A_234#3 : vector<16xf32> to vector<1x16xf32>
        tpu.vector_store %arg7[%swap3A_253, %swap3A_254], %swap3A_257 {strides = array<i32>} : memref<512x128xf32, #tpu.memory_space<vmem>>, vector<1x16xf32>,
        %swap3A_258 = arith.index_cast %add3A_210 : i32 to index
        %swap3A_259 = arith.constant 64 : index
        %swap3A_260 = tpu.vector_load %arg7[%swap3A_258, %swap3A_259] {strides = array<i32>} : memref<512x128xf32, #tpu.memory_space<vmem>>, vector<1x16xf32>,
        %swap3A_261 = vector.shape_cast %swap3A_260 : vector<1x16xf32> to vector<16xf32>
        %swap3A_262 = vector.shape_cast %broadcast_in_dim3A_237 : vector<16xf32> to vector<1x16xf32>
        tpu.vector_store %arg7[%swap3A_258, %swap3A_259], %swap3A_262 {strides = array<i32>} : memref<512x128xf32, #tpu.memory_space<vmem>>, vector<1x16xf32>,
        %swap3A_263 = arith.index_cast %add3A_210 : i32 to index
        %swap3A_264 = arith.constant 80 : index
        %swap3A_265 = tpu.vector_load %arg7[%swap3A_263, %swap3A_264] {strides = array<i32>} : memref<512x128xf32, #tpu.memory_space<vmem>>, vector<1x16xf32>,
        %swap3A_266 = vector.shape_cast %swap3A_265 : vector<1x16xf32> to vector<16xf32>
        %swap3A_267 = vector.shape_cast %broadcast_in_dim3A_237 : vector<16xf32> to vector<1x16xf32>
        tpu.vector_store %arg7[%swap3A_263, %swap3A_264], %swap3A_267 {strides = array<i32>} : memref<512x128xf32, #tpu.memory_space<vmem>>, vector<1x16xf32>,
        %swap3A_268 = arith.index_cast %add3A_210 : i32 to index
        %swap3A_269 = arith.constant 96 : index
        %swap3A_270 = tpu.vector_load %arg7[%swap3A_268, %swap3A_269] {strides = array<i32>} : memref<512x128xf32, #tpu.memory_space<vmem>>, vector<1x16xf32>,
        %swap3A_271 = vector.shape_cast %swap3A_270 : vector<1x16xf32> to vector<16xf32>
        %swap3A_272 = vector.shape_cast %broadcast_in_dim3A_237 : vector<16xf32> to vector<1x16xf32>
        tpu.vector_store %arg7[%swap3A_268, %swap3A_269], %swap3A_272 {strides = array<i32>} : memref<512x128xf32, #tpu.memory_space<vmem>>, vector<1x16xf32>,
        %swap3A_273 = arith.index_cast %add3A_210 : i32 to index
        %swap3A_274 = arith.constant 112 : index
        %swap3A_275 = tpu.vector_load %arg7[%swap3A_273, %swap3A_274] {strides = array<i32>} : memref<512x128xf32, #tpu.memory_space<vmem>>, vector<1x16xf32>,
        %swap3A_276 = vector.shape_cast %swap3A_275 : vector<1x16xf32> to vector<16xf32>
        %swap3A_277 = vector.shape_cast %broadcast_in_dim3A_237 : vector<16xf32> to vector<1x16xf32>
        tpu.vector_store %arg7[%swap3A_273, %swap3A_274], %swap3A_277 {strides = array<i32>} : memref<512x128xf32, #tpu.memory_space<vmem>>, vector<1x16xf32>,
        %add3A_278 = arith.constant 8 : i32
        %add3A_279 = arith.addi %add3A_207, %add3A_278 : i32
        %sub3A_280 = arith.constant 1 : i32
        %sub3A_281 = arith.subi %add3A_279, %sub3A_280 : i32
        %lt3A_282 = arith.constant 64 : i32
        %lt3A_283 = arith.cmpi slt, %sub3A_281, %lt3A_282 : i32
        %convert_element_type3A_284 = arith.extui %lt3A_283 : i1 to i32
        %cond3A_285 = arith.constant 0 : i32
        %cond3A_286 = arith.cmpi ne, %convert_element_type3A_284, %cond3A_285 : i32
        scf.if %cond3A_286 {
          %dma_start3A_855 = arith.constant 0 : i32
          %dma_start3A_856 = arith.constant 0 : i32
          %dma_start3A_857 = arith.constant 0 : i32
          %dma_start3A_858 = tpu.memref_slice %arg6[%dma_start3A_855, %dma_start3A_856, %dma_start3A_857] : memref<8x56x64xf32, #tpu.memory_space<vmem>> -> memref<1x56x64xf32, #tpu.memory_space<vmem>>
          %dma_start3A_859 = tpu.memref_squeeze %dma_start3A_858 : memref<1x56x64xf32, #tpu.memory_space<vmem>> -> memref<56x64xf32, #tpu.memory_space<vmem>>
          %dma_start3A_860 = arith.constant 0 : i32
          %dma_start3A_861 = tpu.memref_slice %arg5[%rem3A_101, %sub3A_281, %dma_start3A_860] : memref<2x64x128xi32, #tpu.memory_space<vmem>> -> memref<1x1x56xi32, #tpu.memory_space<vmem>>
          %dma_start3A_862 = tpu.memref_squeeze %dma_start3A_861 : memref<1x1x56xi32, #tpu.memory_space<vmem>> -> memref<56xi32, #tpu.memory_space<vmem>>
          %dma_start3A_863 = arith.constant 0 : i32
          %dma_start3A_864 = arith.constant 0 : i32
          %dma_start3A_865 = tpu.memref_slice %arg3[%dma_start3A_863, %dma_start3A_864] : memref<1000000x64xf32, #tpu.memory_space<hbm>> -> memref<1000000x64xf32, #tpu.memory_space<hbm>>
          tpu.enqueue_indirect_dma source(%dma_start3A_865 : memref<1000000x64xf32, #tpu.memory_space<hbm>>) target(%dma_start3A_859 : memref<56x64xf32, #tpu.memory_space<vmem>>) offsets(%dma_start3A_862 : memref<56xi32, #tpu.memory_space<vmem>>) semaphore(%arg8 : memref<!tpu.dma_semaphore, #tpu.memory_space<semaphore_mem>>)
        } else {
        }
        %ge3A_287 = arith.constant 64 : i32
        %ge3A_288 = arith.cmpi sge, %sub3A_281, %ge3A_287 : i32
        %add3A_289 = arith.constant 1 : i32
        %add3A_290 = arith.addi %scan3A_100, %add3A_289 : i32
        %lt3A_291 = arith.constant 8 : i32
        %lt3A_292 = arith.cmpi slt, %add3A_290, %lt3A_291 : i32
        %and3A_293 = arith.andi %ge3A_288, %lt3A_292 : i1
        %convert_element_type3A_294 = arith.extui %and3A_293 : i1 to i32
        %cond3A_295 = arith.constant 0 : i32
        %cond3A_296 = arith.cmpi ne, %convert_element_type3A_294, %cond3A_295 : i32
        scf.if %cond3A_296 {
          %sub3A_855 = arith.constant 64 : i32
          %sub3A_856 = arith.subi %sub3A_281, %sub3A_855 : i32
          %dma_start3A_857 = arith.constant 0 : i32
          %dma_start3A_858 = arith.constant 0 : i32
          %dma_start3A_859 = arith.constant 0 : i32
          %dma_start3A_860 = tpu.memref_slice %arg6[%dma_start3A_857, %dma_start3A_858, %dma_start3A_859] : memref<8x56x64xf32, #tpu.memory_space<vmem>> -> memref<1x56x64xf32, #tpu.memory_space<vmem>>
          %dma_start3A_861 = tpu.memref_squeeze %dma_start3A_860 : memref<1x56x64xf32, #tpu.memory_space<vmem>> -> memref<56x64xf32, #tpu.memory_space<vmem>>
          %dma_start3A_862 = arith.constant 0 : i32
          %dma_start3A_863 = tpu.memref_slice %arg5[%rem3A_105, %sub3A_856, %dma_start3A_862] : memref<2x64x128xi32, #tpu.memory_space<vmem>> -> memref<1x1x56xi32, #tpu.memory_space<vmem>>
          %dma_start3A_864 = tpu.memref_squeeze %dma_start3A_863 : memref<1x1x56xi32, #tpu.memory_space<vmem>> -> memref<56xi32, #tpu.memory_space<vmem>>
          %dma_start3A_865 = arith.constant 0 : i32
          %dma_start3A_866 = arith.constant 0 : i32
          %dma_start3A_867 = tpu.memref_slice %arg3[%dma_start3A_865, %dma_start3A_866] : memref<1000000x64xf32, #tpu.memory_space<hbm>> -> memref<1000000x64xf32, #tpu.memory_space<hbm>>
          tpu.enqueue_indirect_dma source(%dma_start3A_867 : memref<1000000x64xf32, #tpu.memory_space<hbm>>) target(%dma_start3A_861 : memref<56x64xf32, #tpu.memory_space<vmem>>) offsets(%dma_start3A_864 : memref<56xi32, #tpu.memory_space<vmem>>) semaphore(%arg8 : memref<!tpu.dma_semaphore, #tpu.memory_space<semaphore_mem>>)
        } else {
        }
        %mul3A_297 = arith.constant 8 : i32
        %mul3A_298 = arith.muli %scan3A_116, %mul3A_297 : i32
        %add3A_299 = arith.constant 2 : i32
        %add3A_300 = arith.addi %mul3A_298, %add3A_299 : i32
        %mul3A_301 = arith.constant 64 : i32
        %mul3A_302 = arith.muli %scan3A_100, %mul3A_301 : i32
        %add3A_303 = arith.addi %mul3A_302, %add3A_300 : i32
        %dma_wait3A_304 = arith.constant 2 : i32
        %dma_wait3A_305 = arith.constant 0 : i32
        %dma_wait3A_306 = arith.constant 0 : i32
        %dma_wait3A_307 = tpu.memref_slice %arg6[%dma_wait3A_304, %dma_wait3A_305, %dma_wait3A_306] : memref<8x56x64xf32, #tpu.memory_space<vmem>> -> memref<1x56x64xf32, #tpu.memory_space<vmem>>
        %dma_wait3A_308 = tpu.memref_squeeze %dma_wait3A_307 : memref<1x56x64xf32, #tpu.memory_space<vmem>> -> memref<56x64xf32, #tpu.memory_space<vmem>>
        %dma_wait3A_309 = arith.constant 0 : i32
        %dma_wait3A_310 = tpu.memref_slice %arg5[%rem3A_101, %add3A_300, %dma_wait3A_309] : memref<2x64x128xi32, #tpu.memory_space<vmem>> -> memref<1x1x56xi32, #tpu.memory_space<vmem>>
        %dma_wait3A_311 = tpu.memref_squeeze %dma_wait3A_310 : memref<1x1x56xi32, #tpu.memory_space<vmem>> -> memref<56xi32, #tpu.memory_space<vmem>>
        %dma_wait3A_312 = arith.constant 0 : i32
        %dma_wait3A_313 = arith.constant 0 : i32
        %dma_wait3A_314 = tpu.memref_slice %arg3[%dma_wait3A_312, %dma_wait3A_313] : memref<1000000x64xf32, #tpu.memory_space<hbm>> -> memref<1000000x64xf32, #tpu.memory_space<hbm>>
        tpu.wait_indirect_dma semaphore(%arg10 : memref<!tpu.dma_semaphore, #tpu.memory_space<semaphore_mem>>) src(%dma_wait3A_314 : memref<1000000x64xf32, #tpu.memory_space<hbm>>) dst(%dma_wait3A_308 : memref<56x64xf32, #tpu.memory_space<vmem>>)
        %broadcast_in_dim3A_315 = arith.constant 0.000000e+00 : f32
        %broadcast_in_dim3A_316 = vector.broadcast %broadcast_in_dim3A_315 : f32 to vector<16xf32>
        %broadcast_in_dim3A_317 = arith.constant 0.000000e+00 : f32
        %broadcast_in_dim3A_318 = vector.broadcast %broadcast_in_dim3A_317 : f32 to vector<16xf32>
        %broadcast_in_dim3A_319 = arith.constant 0.000000e+00 : f32
        %broadcast_in_dim3A_320 = vector.broadcast %broadcast_in_dim3A_319 : f32 to vector<16xf32>
        %broadcast_in_dim3A_321 = arith.constant 0.000000e+00 : f32
        %broadcast_in_dim3A_322 = vector.broadcast %broadcast_in_dim3A_321 : f32 to vector<16xf32>
        %scan3A_323 = arith.constant 0 : i32
        %scan3A_324 = arith.constant 25 : i32
        %scan3A_325 = arith.addi %scan3A_323, %scan3A_324 : i32
        %scan3A_326 = arith.constant 1 : i32
        %scan3A_327:4 = scf.for %scan3A_855 = %scan3A_323 to %scan3A_325 step %scan3A_326 iter_args(%scan3A_856 = %broadcast_in_dim3A_316, %scan3A_857 = %broadcast_in_dim3A_318, %scan3A_858 = %broadcast_in_dim3A_320, %scan3A_859 = %broadcast_in_dim3A_322) -> (vector<16xf32>, vector<16xf32>, vector<16xf32>, vector<16xf32>)  : i32 {
          %mul3A_860 = arith.constant 2 : i32
          %mul3A_861 = arith.muli %mul3A_860, %scan3A_855 : i32
          %add3A_862 = arith.constant 0 : i32
          %add3A_863 = arith.addi %mul3A_861, %add3A_862 : i32
          %get3A = arith.constant 2 : i32
          %get3A_864 = arith.index_cast %get3A : i32 to index
          %get3A_865 = arith.index_cast %add3A_863 : i32 to index
          %get3A_866 = arith.constant 0 : index
          %get3A_867 = tpu.vector_load %arg6[%get3A_864, %get3A_865, %get3A_866] {strides = array<i32>} : memref<8x56x64xf32, #tpu.memory_space<vmem>>, vector<1x1x16xf32>,
          %get3A_868 = vector.shape_cast %get3A_867 : vector<1x1x16xf32> to vector<16xf32>
          %add3A_869 = arith.addf %scan3A_856, %get3A_868 : vector<16xf32>
          %get3A_870 = arith.constant 2 : i32
          %get3A_871 = arith.index_cast %get3A_870 : i32 to index
          %get3A_872 = arith.index_cast %add3A_863 : i32 to index
          %get3A_873 = arith.constant 16 : index
          %get3A_874 = tpu.vector_load %arg6[%get3A_871, %get3A_872, %get3A_873] {strides = array<i32>} : memref<8x56x64xf32, #tpu.memory_space<vmem>>, vector<1x1x16xf32>,
          %get3A_875 = vector.shape_cast %get3A_874 : vector<1x1x16xf32> to vector<16xf32>
          %add3A_876 = arith.addf %scan3A_857, %get3A_875 : vector<16xf32>
          %get3A_877 = arith.constant 2 : i32
          %get3A_878 = arith.index_cast %get3A_877 : i32 to index
          %get3A_879 = arith.index_cast %add3A_863 : i32 to index
          %get3A_880 = arith.constant 32 : index
          %get3A_881 = tpu.vector_load %arg6[%get3A_878, %get3A_879, %get3A_880] {strides = array<i32>} : memref<8x56x64xf32, #tpu.memory_space<vmem>>, vector<1x1x16xf32>,
          %get3A_882 = vector.shape_cast %get3A_881 : vector<1x1x16xf32> to vector<16xf32>
          %add3A_883 = arith.addf %scan3A_858, %get3A_882 : vector<16xf32>
          %get3A_884 = arith.constant 2 : i32
          %get3A_885 = arith.index_cast %get3A_884 : i32 to index
          %get3A_886 = arith.index_cast %add3A_863 : i32 to index
          %get3A_887 = arith.constant 48 : index
          %get3A_888 = tpu.vector_load %arg6[%get3A_885, %get3A_886, %get3A_887] {strides = array<i32>} : memref<8x56x64xf32, #tpu.memory_space<vmem>>, vector<1x1x16xf32>,
          %get3A_889 = vector.shape_cast %get3A_888 : vector<1x1x16xf32> to vector<16xf32>
          %add3A_890 = arith.addf %scan3A_859, %get3A_889 : vector<16xf32>
          %mul3A_891 = arith.constant 2 : i32
          %mul3A_892 = arith.muli %mul3A_891, %scan3A_855 : i32
          %add3A_893 = arith.constant 1 : i32
          %add3A_894 = arith.addi %mul3A_892, %add3A_893 : i32
          %get3A_895 = arith.constant 2 : i32
          %get3A_896 = arith.index_cast %get3A_895 : i32 to index
          %get3A_897 = arith.index_cast %add3A_894 : i32 to index
          %get3A_898 = arith.constant 0 : index
          %get3A_899 = tpu.vector_load %arg6[%get3A_896, %get3A_897, %get3A_898] {strides = array<i32>} : memref<8x56x64xf32, #tpu.memory_space<vmem>>, vector<1x1x16xf32>,
          %get3A_900 = vector.shape_cast %get3A_899 : vector<1x1x16xf32> to vector<16xf32>
          %add3A_901 = arith.addf %add3A_869, %get3A_900 : vector<16xf32>
          %get3A_902 = arith.constant 2 : i32
          %get3A_903 = arith.index_cast %get3A_902 : i32 to index
          %get3A_904 = arith.index_cast %add3A_894 : i32 to index
          %get3A_905 = arith.constant 16 : index
          %get3A_906 = tpu.vector_load %arg6[%get3A_903, %get3A_904, %get3A_905] {strides = array<i32>} : memref<8x56x64xf32, #tpu.memory_space<vmem>>, vector<1x1x16xf32>,
          %get3A_907 = vector.shape_cast %get3A_906 : vector<1x1x16xf32> to vector<16xf32>
          %add3A_908 = arith.addf %add3A_876, %get3A_907 : vector<16xf32>
          %get3A_909 = arith.constant 2 : i32
          %get3A_910 = arith.index_cast %get3A_909 : i32 to index
          %get3A_911 = arith.index_cast %add3A_894 : i32 to index
          %get3A_912 = arith.constant 32 : index
          %get3A_913 = tpu.vector_load %arg6[%get3A_910, %get3A_911, %get3A_912] {strides = array<i32>} : memref<8x56x64xf32, #tpu.memory_space<vmem>>, vector<1x1x16xf32>,
          %get3A_914 = vector.shape_cast %get3A_913 : vector<1x1x16xf32> to vector<16xf32>
          %add3A_915 = arith.addf %add3A_883, %get3A_914 : vector<16xf32>
          %get3A_916 = arith.constant 2 : i32
          %get3A_917 = arith.index_cast %get3A_916 : i32 to index
          %get3A_918 = arith.index_cast %add3A_894 : i32 to index
          %get3A_919 = arith.constant 48 : index
          %get3A_920 = tpu.vector_load %arg6[%get3A_917, %get3A_918, %get3A_919] {strides = array<i32>} : memref<8x56x64xf32, #tpu.memory_space<vmem>>, vector<1x1x16xf32>,
          %get3A_921 = vector.shape_cast %get3A_920 : vector<1x1x16xf32> to vector<16xf32>
          %add3A_922 = arith.addf %add3A_890, %get3A_921 : vector<16xf32>
          scf.yield %add3A_901, %add3A_908, %add3A_915, %add3A_922 : vector<16xf32>, vector<16xf32>, vector<16xf32>, vector<16xf32>
        }
        %scan3A_328 = arith.constant 25 : i32
        %broadcast_in_dim3A_329 = arith.constant 0.000000e+00 : f32
        %broadcast_in_dim3A_330 = vector.broadcast %broadcast_in_dim3A_329 : f32 to vector<16xf32>
        %swap3A_331 = arith.index_cast %add3A_303 : i32 to index
        %swap3A_332 = arith.constant 0 : index
        %swap3A_333 = tpu.vector_load %arg7[%swap3A_331, %swap3A_332] {strides = array<i32>} : memref<512x128xf32, #tpu.memory_space<vmem>>, vector<1x16xf32>,
        %swap3A_334 = vector.shape_cast %swap3A_333 : vector<1x16xf32> to vector<16xf32>
        %swap3A_335 = vector.shape_cast %scan3A_327#0 : vector<16xf32> to vector<1x16xf32>
        tpu.vector_store %arg7[%swap3A_331, %swap3A_332], %swap3A_335 {strides = array<i32>} : memref<512x128xf32, #tpu.memory_space<vmem>>, vector<1x16xf32>,
        %swap3A_336 = arith.index_cast %add3A_303 : i32 to index
        %swap3A_337 = arith.constant 16 : index
        %swap3A_338 = tpu.vector_load %arg7[%swap3A_336, %swap3A_337] {strides = array<i32>} : memref<512x128xf32, #tpu.memory_space<vmem>>, vector<1x16xf32>,
        %swap3A_339 = vector.shape_cast %swap3A_338 : vector<1x16xf32> to vector<16xf32>
        %swap3A_340 = vector.shape_cast %scan3A_327#1 : vector<16xf32> to vector<1x16xf32>
        tpu.vector_store %arg7[%swap3A_336, %swap3A_337], %swap3A_340 {strides = array<i32>} : memref<512x128xf32, #tpu.memory_space<vmem>>, vector<1x16xf32>,
        %swap3A_341 = arith.index_cast %add3A_303 : i32 to index
        %swap3A_342 = arith.constant 32 : index
        %swap3A_343 = tpu.vector_load %arg7[%swap3A_341, %swap3A_342] {strides = array<i32>} : memref<512x128xf32, #tpu.memory_space<vmem>>, vector<1x16xf32>,
        %swap3A_344 = vector.shape_cast %swap3A_343 : vector<1x16xf32> to vector<16xf32>
        %swap3A_345 = vector.shape_cast %scan3A_327#2 : vector<16xf32> to vector<1x16xf32>
        tpu.vector_store %arg7[%swap3A_341, %swap3A_342], %swap3A_345 {strides = array<i32>} : memref<512x128xf32, #tpu.memory_space<vmem>>, vector<1x16xf32>,
        %swap3A_346 = arith.index_cast %add3A_303 : i32 to index
        %swap3A_347 = arith.constant 48 : index
        %swap3A_348 = tpu.vector_load %arg7[%swap3A_346, %swap3A_347] {strides = array<i32>} : memref<512x128xf32, #tpu.memory_space<vmem>>, vector<1x16xf32>,
        %swap3A_349 = vector.shape_cast %swap3A_348 : vector<1x16xf32> to vector<16xf32>
        %swap3A_350 = vector.shape_cast %scan3A_327#3 : vector<16xf32> to vector<1x16xf32>
        tpu.vector_store %arg7[%swap3A_346, %swap3A_347], %swap3A_350 {strides = array<i32>} : memref<512x128xf32, #tpu.memory_space<vmem>>, vector<1x16xf32>,
        %swap3A_351 = arith.index_cast %add3A_303 : i32 to index
        %swap3A_352 = arith.constant 64 : index
        %swap3A_353 = tpu.vector_load %arg7[%swap3A_351, %swap3A_352] {strides = array<i32>} : memref<512x128xf32, #tpu.memory_space<vmem>>, vector<1x16xf32>,
        %swap3A_354 = vector.shape_cast %swap3A_353 : vector<1x16xf32> to vector<16xf32>
        %swap3A_355 = vector.shape_cast %broadcast_in_dim3A_330 : vector<16xf32> to vector<1x16xf32>
        tpu.vector_store %arg7[%swap3A_351, %swap3A_352], %swap3A_355 {strides = array<i32>} : memref<512x128xf32, #tpu.memory_space<vmem>>, vector<1x16xf32>,
        %swap3A_356 = arith.index_cast %add3A_303 : i32 to index
        %swap3A_357 = arith.constant 80 : index
        %swap3A_358 = tpu.vector_load %arg7[%swap3A_356, %swap3A_357] {strides = array<i32>} : memref<512x128xf32, #tpu.memory_space<vmem>>, vector<1x16xf32>,
        %swap3A_359 = vector.shape_cast %swap3A_358 : vector<1x16xf32> to vector<16xf32>
        %swap3A_360 = vector.shape_cast %broadcast_in_dim3A_330 : vector<16xf32> to vector<1x16xf32>
        tpu.vector_store %arg7[%swap3A_356, %swap3A_357], %swap3A_360 {strides = array<i32>} : memref<512x128xf32, #tpu.memory_space<vmem>>, vector<1x16xf32>,
        %swap3A_361 = arith.index_cast %add3A_303 : i32 to index
        %swap3A_362 = arith.constant 96 : index
        %swap3A_363 = tpu.vector_load %arg7[%swap3A_361, %swap3A_362] {strides = array<i32>} : memref<512x128xf32, #tpu.memory_space<vmem>>, vector<1x16xf32>,
        %swap3A_364 = vector.shape_cast %swap3A_363 : vector<1x16xf32> to vector<16xf32>
        %swap3A_365 = vector.shape_cast %broadcast_in_dim3A_330 : vector<16xf32> to vector<1x16xf32>
        tpu.vector_store %arg7[%swap3A_361, %swap3A_362], %swap3A_365 {strides = array<i32>} : memref<512x128xf32, #tpu.memory_space<vmem>>, vector<1x16xf32>,
        %swap3A_366 = arith.index_cast %add3A_303 : i32 to index
        %swap3A_367 = arith.constant 112 : index
        %swap3A_368 = tpu.vector_load %arg7[%swap3A_366, %swap3A_367] {strides = array<i32>} : memref<512x128xf32, #tpu.memory_space<vmem>>, vector<1x16xf32>,
        %swap3A_369 = vector.shape_cast %swap3A_368 : vector<1x16xf32> to vector<16xf32>
        %swap3A_370 = vector.shape_cast %broadcast_in_dim3A_330 : vector<16xf32> to vector<1x16xf32>
        tpu.vector_store %arg7[%swap3A_366, %swap3A_367], %swap3A_370 {strides = array<i32>} : memref<512x128xf32, #tpu.memory_space<vmem>>, vector<1x16xf32>,
        %add3A_371 = arith.constant 8 : i32
        %add3A_372 = arith.addi %add3A_300, %add3A_371 : i32
        %sub3A_373 = arith.constant 1 : i32
        %sub3A_374 = arith.subi %add3A_372, %sub3A_373 : i32
        %lt3A_375 = arith.constant 64 : i32
        %lt3A_376 = arith.cmpi slt, %sub3A_374, %lt3A_375 : i32
        %convert_element_type3A_377 = arith.extui %lt3A_376 : i1 to i32
        %cond3A_378 = arith.constant 0 : i32
        %cond3A_379 = arith.cmpi ne, %convert_element_type3A_377, %cond3A_378 : i32
        scf.if %cond3A_379 {
          %dma_start3A_855 = arith.constant 1 : i32
          %dma_start3A_856 = arith.constant 0 : i32
          %dma_start3A_857 = arith.constant 0 : i32
          %dma_start3A_858 = tpu.memref_slice %arg6[%dma_start3A_855, %dma_start3A_856, %dma_start3A_857] : memref<8x56x64xf32, #tpu.memory_space<vmem>> -> memref<1x56x64xf32, #tpu.memory_space<vmem>>
          %dma_start3A_859 = tpu.memref_squeeze %dma_start3A_858 : memref<1x56x64xf32, #tpu.memory_space<vmem>> -> memref<56x64xf32, #tpu.memory_space<vmem>>
          %dma_start3A_860 = arith.constant 0 : i32
          %dma_start3A_861 = tpu.memref_slice %arg5[%rem3A_101, %sub3A_374, %dma_start3A_860] : memref<2x64x128xi32, #tpu.memory_space<vmem>> -> memref<1x1x56xi32, #tpu.memory_space<vmem>>
          %dma_start3A_862 = tpu.memref_squeeze %dma_start3A_861 : memref<1x1x56xi32, #tpu.memory_space<vmem>> -> memref<56xi32, #tpu.memory_space<vmem>>
          %dma_start3A_863 = arith.constant 0 : i32
          %dma_start3A_864 = arith.constant 0 : i32
          %dma_start3A_865 = tpu.memref_slice %arg3[%dma_start3A_863, %dma_start3A_864] : memref<1000000x64xf32, #tpu.memory_space<hbm>> -> memref<1000000x64xf32, #tpu.memory_space<hbm>>
          tpu.enqueue_indirect_dma source(%dma_start3A_865 : memref<1000000x64xf32, #tpu.memory_space<hbm>>) target(%dma_start3A_859 : memref<56x64xf32, #tpu.memory_space<vmem>>) offsets(%dma_start3A_862 : memref<56xi32, #tpu.memory_space<vmem>>) semaphore(%arg9 : memref<!tpu.dma_semaphore, #tpu.memory_space<semaphore_mem>>)
        } else {
        }
        %ge3A_380 = arith.constant 64 : i32
        %ge3A_381 = arith.cmpi sge, %sub3A_374, %ge3A_380 : i32
        %add3A_382 = arith.constant 1 : i32
        %add3A_383 = arith.addi %scan3A_100, %add3A_382 : i32
        %lt3A_384 = arith.constant 8 : i32
        %lt3A_385 = arith.cmpi slt, %add3A_383, %lt3A_384 : i32
        %and3A_386 = arith.andi %ge3A_381, %lt3A_385 : i1
        %convert_element_type3A_387 = arith.extui %and3A_386 : i1 to i32
        %cond3A_388 = arith.constant 0 : i32
        %cond3A_389 = arith.cmpi ne, %convert_element_type3A_387, %cond3A_388 : i32
        scf.if %cond3A_389 {
          %sub3A_855 = arith.constant 64 : i32
          %sub3A_856 = arith.subi %sub3A_374, %sub3A_855 : i32
          %dma_start3A_857 = arith.constant 1 : i32
          %dma_start3A_858 = arith.constant 0 : i32
          %dma_start3A_859 = arith.constant 0 : i32
          %dma_start3A_860 = tpu.memref_slice %arg6[%dma_start3A_857, %dma_start3A_858, %dma_start3A_859] : memref<8x56x64xf32, #tpu.memory_space<vmem>> -> memref<1x56x64xf32, #tpu.memory_space<vmem>>
          %dma_start3A_861 = tpu.memref_squeeze %dma_start3A_860 : memref<1x56x64xf32, #tpu.memory_space<vmem>> -> memref<56x64xf32, #tpu.memory_space<vmem>>
          %dma_start3A_862 = arith.constant 0 : i32
          %dma_start3A_863 = tpu.memref_slice %arg5[%rem3A_105, %sub3A_856, %dma_start3A_862] : memref<2x64x128xi32, #tpu.memory_space<vmem>> -> memref<1x1x56xi32, #tpu.memory_space<vmem>>
          %dma_start3A_864 = tpu.memref_squeeze %dma_start3A_863 : memref<1x1x56xi32, #tpu.memory_space<vmem>> -> memref<56xi32, #tpu.memory_space<vmem>>
          %dma_start3A_865 = arith.constant 0 : i32
          %dma_start3A_866 = arith.constant 0 : i32
          %dma_start3A_867 = tpu.memref_slice %arg3[%dma_start3A_865, %dma_start3A_866] : memref<1000000x64xf32, #tpu.memory_space<hbm>> -> memref<1000000x64xf32, #tpu.memory_space<hbm>>
          tpu.enqueue_indirect_dma source(%dma_start3A_867 : memref<1000000x64xf32, #tpu.memory_space<hbm>>) target(%dma_start3A_861 : memref<56x64xf32, #tpu.memory_space<vmem>>) offsets(%dma_start3A_864 : memref<56xi32, #tpu.memory_space<vmem>>) semaphore(%arg9 : memref<!tpu.dma_semaphore, #tpu.memory_space<semaphore_mem>>)
        } else {
        }
        %mul3A_390 = arith.constant 8 : i32
        %mul3A_391 = arith.muli %scan3A_116, %mul3A_390 : i32
        %add3A_392 = arith.constant 3 : i32
        %add3A_393 = arith.addi %mul3A_391, %add3A_392 : i32
        %mul3A_394 = arith.constant 64 : i32
        %mul3A_395 = arith.muli %scan3A_100, %mul3A_394 : i32
        %add3A_396 = arith.addi %mul3A_395, %add3A_393 : i32
        %dma_wait3A_397 = arith.constant 3 : i32
        %dma_wait3A_398 = arith.constant 0 : i32
        %dma_wait3A_399 = arith.constant 0 : i32
        %dma_wait3A_400 = tpu.memref_slice %arg6[%dma_wait3A_397, %dma_wait3A_398, %dma_wait3A_399] : memref<8x56x64xf32, #tpu.memory_space<vmem>> -> memref<1x56x64xf32, #tpu.memory_space<vmem>>
        %dma_wait3A_401 = tpu.memref_squeeze %dma_wait3A_400 : memref<1x56x64xf32, #tpu.memory_space<vmem>> -> memref<56x64xf32, #tpu.memory_space<vmem>>
        %dma_wait3A_402 = arith.constant 0 : i32
        %dma_wait3A_403 = tpu.memref_slice %arg5[%rem3A_101, %add3A_393, %dma_wait3A_402] : memref<2x64x128xi32, #tpu.memory_space<vmem>> -> memref<1x1x56xi32, #tpu.memory_space<vmem>>
        %dma_wait3A_404 = tpu.memref_squeeze %dma_wait3A_403 : memref<1x1x56xi32, #tpu.memory_space<vmem>> -> memref<56xi32, #tpu.memory_space<vmem>>
        %dma_wait3A_405 = arith.constant 0 : i32
        %dma_wait3A_406 = arith.constant 0 : i32
        %dma_wait3A_407 = tpu.memref_slice %arg3[%dma_wait3A_405, %dma_wait3A_406] : memref<1000000x64xf32, #tpu.memory_space<hbm>> -> memref<1000000x64xf32, #tpu.memory_space<hbm>>
        tpu.wait_indirect_dma semaphore(%arg11 : memref<!tpu.dma_semaphore, #tpu.memory_space<semaphore_mem>>) src(%dma_wait3A_407 : memref<1000000x64xf32, #tpu.memory_space<hbm>>) dst(%dma_wait3A_401 : memref<56x64xf32, #tpu.memory_space<vmem>>)
        %broadcast_in_dim3A_408 = arith.constant 0.000000e+00 : f32
        %broadcast_in_dim3A_409 = vector.broadcast %broadcast_in_dim3A_408 : f32 to vector<16xf32>
        %broadcast_in_dim3A_410 = arith.constant 0.000000e+00 : f32
        %broadcast_in_dim3A_411 = vector.broadcast %broadcast_in_dim3A_410 : f32 to vector<16xf32>
        %broadcast_in_dim3A_412 = arith.constant 0.000000e+00 : f32
        %broadcast_in_dim3A_413 = vector.broadcast %broadcast_in_dim3A_412 : f32 to vector<16xf32>
        %broadcast_in_dim3A_414 = arith.constant 0.000000e+00 : f32
        %broadcast_in_dim3A_415 = vector.broadcast %broadcast_in_dim3A_414 : f32 to vector<16xf32>
        %scan3A_416 = arith.constant 0 : i32
        %scan3A_417 = arith.constant 25 : i32
        %scan3A_418 = arith.addi %scan3A_416, %scan3A_417 : i32
        %scan3A_419 = arith.constant 1 : i32
        %scan3A_420:4 = scf.for %scan3A_855 = %scan3A_416 to %scan3A_418 step %scan3A_419 iter_args(%scan3A_856 = %broadcast_in_dim3A_409, %scan3A_857 = %broadcast_in_dim3A_411, %scan3A_858 = %broadcast_in_dim3A_413, %scan3A_859 = %broadcast_in_dim3A_415) -> (vector<16xf32>, vector<16xf32>, vector<16xf32>, vector<16xf32>)  : i32 {
          %mul3A_860 = arith.constant 2 : i32
          %mul3A_861 = arith.muli %mul3A_860, %scan3A_855 : i32
          %add3A_862 = arith.constant 0 : i32
          %add3A_863 = arith.addi %mul3A_861, %add3A_862 : i32
          %get3A = arith.constant 3 : i32
          %get3A_864 = arith.index_cast %get3A : i32 to index
          %get3A_865 = arith.index_cast %add3A_863 : i32 to index
          %get3A_866 = arith.constant 0 : index
          %get3A_867 = tpu.vector_load %arg6[%get3A_864, %get3A_865, %get3A_866] {strides = array<i32>} : memref<8x56x64xf32, #tpu.memory_space<vmem>>, vector<1x1x16xf32>,
          %get3A_868 = vector.shape_cast %get3A_867 : vector<1x1x16xf32> to vector<16xf32>
          %add3A_869 = arith.addf %scan3A_856, %get3A_868 : vector<16xf32>
          %get3A_870 = arith.constant 3 : i32
          %get3A_871 = arith.index_cast %get3A_870 : i32 to index
          %get3A_872 = arith.index_cast %add3A_863 : i32 to index
          %get3A_873 = arith.constant 16 : index
          %get3A_874 = tpu.vector_load %arg6[%get3A_871, %get3A_872, %get3A_873] {strides = array<i32>} : memref<8x56x64xf32, #tpu.memory_space<vmem>>, vector<1x1x16xf32>,
          %get3A_875 = vector.shape_cast %get3A_874 : vector<1x1x16xf32> to vector<16xf32>
          %add3A_876 = arith.addf %scan3A_857, %get3A_875 : vector<16xf32>
          %get3A_877 = arith.constant 3 : i32
          %get3A_878 = arith.index_cast %get3A_877 : i32 to index
          %get3A_879 = arith.index_cast %add3A_863 : i32 to index
          %get3A_880 = arith.constant 32 : index
          %get3A_881 = tpu.vector_load %arg6[%get3A_878, %get3A_879, %get3A_880] {strides = array<i32>} : memref<8x56x64xf32, #tpu.memory_space<vmem>>, vector<1x1x16xf32>,
          %get3A_882 = vector.shape_cast %get3A_881 : vector<1x1x16xf32> to vector<16xf32>
          %add3A_883 = arith.addf %scan3A_858, %get3A_882 : vector<16xf32>
          %get3A_884 = arith.constant 3 : i32
          %get3A_885 = arith.index_cast %get3A_884 : i32 to index
          %get3A_886 = arith.index_cast %add3A_863 : i32 to index
          %get3A_887 = arith.constant 48 : index
          %get3A_888 = tpu.vector_load %arg6[%get3A_885, %get3A_886, %get3A_887] {strides = array<i32>} : memref<8x56x64xf32, #tpu.memory_space<vmem>>, vector<1x1x16xf32>,
          %get3A_889 = vector.shape_cast %get3A_888 : vector<1x1x16xf32> to vector<16xf32>
          %add3A_890 = arith.addf %scan3A_859, %get3A_889 : vector<16xf32>
          %mul3A_891 = arith.constant 2 : i32
          %mul3A_892 = arith.muli %mul3A_891, %scan3A_855 : i32
          %add3A_893 = arith.constant 1 : i32
          %add3A_894 = arith.addi %mul3A_892, %add3A_893 : i32
          %get3A_895 = arith.constant 3 : i32
          %get3A_896 = arith.index_cast %get3A_895 : i32 to index
          %get3A_897 = arith.index_cast %add3A_894 : i32 to index
          %get3A_898 = arith.constant 0 : index
          %get3A_899 = tpu.vector_load %arg6[%get3A_896, %get3A_897, %get3A_898] {strides = array<i32>} : memref<8x56x64xf32, #tpu.memory_space<vmem>>, vector<1x1x16xf32>,
          %get3A_900 = vector.shape_cast %get3A_899 : vector<1x1x16xf32> to vector<16xf32>
          %add3A_901 = arith.addf %add3A_869, %get3A_900 : vector<16xf32>
          %get3A_902 = arith.constant 3 : i32
          %get3A_903 = arith.index_cast %get3A_902 : i32 to index
          %get3A_904 = arith.index_cast %add3A_894 : i32 to index
          %get3A_905 = arith.constant 16 : index
          %get3A_906 = tpu.vector_load %arg6[%get3A_903, %get3A_904, %get3A_905] {strides = array<i32>} : memref<8x56x64xf32, #tpu.memory_space<vmem>>, vector<1x1x16xf32>,
          %get3A_907 = vector.shape_cast %get3A_906 : vector<1x1x16xf32> to vector<16xf32>
          %add3A_908 = arith.addf %add3A_876, %get3A_907 : vector<16xf32>
          %get3A_909 = arith.constant 3 : i32
          %get3A_910 = arith.index_cast %get3A_909 : i32 to index
          %get3A_911 = arith.index_cast %add3A_894 : i32 to index
          %get3A_912 = arith.constant 32 : index
          %get3A_913 = tpu.vector_load %arg6[%get3A_910, %get3A_911, %get3A_912] {strides = array<i32>} : memref<8x56x64xf32, #tpu.memory_space<vmem>>, vector<1x1x16xf32>,
          %get3A_914 = vector.shape_cast %get3A_913 : vector<1x1x16xf32> to vector<16xf32>
          %add3A_915 = arith.addf %add3A_883, %get3A_914 : vector<16xf32>
          %get3A_916 = arith.constant 3 : i32
          %get3A_917 = arith.index_cast %get3A_916 : i32 to index
          %get3A_918 = arith.index_cast %add3A_894 : i32 to index
          %get3A_919 = arith.constant 48 : index
          %get3A_920 = tpu.vector_load %arg6[%get3A_917, %get3A_918, %get3A_919] {strides = array<i32>} : memref<8x56x64xf32, #tpu.memory_space<vmem>>, vector<1x1x16xf32>,
          %get3A_921 = vector.shape_cast %get3A_920 : vector<1x1x16xf32> to vector<16xf32>
          %add3A_922 = arith.addf %add3A_890, %get3A_921 : vector<16xf32>
          scf.yield %add3A_901, %add3A_908, %add3A_915, %add3A_922 : vector<16xf32>, vector<16xf32>, vector<16xf32>, vector<16xf32>
        }
        %scan3A_421 = arith.constant 25 : i32
        %broadcast_in_dim3A_422 = arith.constant 0.000000e+00 : f32
        %broadcast_in_dim3A_423 = vector.broadcast %broadcast_in_dim3A_422 : f32 to vector<16xf32>
        %swap3A_424 = arith.index_cast %add3A_396 : i32 to index
        %swap3A_425 = arith.constant 0 : index
        %swap3A_426 = tpu.vector_load %arg7[%swap3A_424, %swap3A_425] {strides = array<i32>} : memref<512x128xf32, #tpu.memory_space<vmem>>, vector<1x16xf32>,
        %swap3A_427 = vector.shape_cast %swap3A_426 : vector<1x16xf32> to vector<16xf32>
        %swap3A_428 = vector.shape_cast %scan3A_420#0 : vector<16xf32> to vector<1x16xf32>
        tpu.vector_store %arg7[%swap3A_424, %swap3A_425], %swap3A_428 {strides = array<i32>} : memref<512x128xf32, #tpu.memory_space<vmem>>, vector<1x16xf32>,
        %swap3A_429 = arith.index_cast %add3A_396 : i32 to index
        %swap3A_430 = arith.constant 16 : index
        %swap3A_431 = tpu.vector_load %arg7[%swap3A_429, %swap3A_430] {strides = array<i32>} : memref<512x128xf32, #tpu.memory_space<vmem>>, vector<1x16xf32>,
        %swap3A_432 = vector.shape_cast %swap3A_431 : vector<1x16xf32> to vector<16xf32>
        %swap3A_433 = vector.shape_cast %scan3A_420#1 : vector<16xf32> to vector<1x16xf32>
        tpu.vector_store %arg7[%swap3A_429, %swap3A_430], %swap3A_433 {strides = array<i32>} : memref<512x128xf32, #tpu.memory_space<vmem>>, vector<1x16xf32>,
        %swap3A_434 = arith.index_cast %add3A_396 : i32 to index
        %swap3A_435 = arith.constant 32 : index
        %swap3A_436 = tpu.vector_load %arg7[%swap3A_434, %swap3A_435] {strides = array<i32>} : memref<512x128xf32, #tpu.memory_space<vmem>>, vector<1x16xf32>,
        %swap3A_437 = vector.shape_cast %swap3A_436 : vector<1x16xf32> to vector<16xf32>
        %swap3A_438 = vector.shape_cast %scan3A_420#2 : vector<16xf32> to vector<1x16xf32>
        tpu.vector_store %arg7[%swap3A_434, %swap3A_435], %swap3A_438 {strides = array<i32>} : memref<512x128xf32, #tpu.memory_space<vmem>>, vector<1x16xf32>,
        %swap3A_439 = arith.index_cast %add3A_396 : i32 to index
        %swap3A_440 = arith.constant 48 : index
        %swap3A_441 = tpu.vector_load %arg7[%swap3A_439, %swap3A_440] {strides = array<i32>} : memref<512x128xf32, #tpu.memory_space<vmem>>, vector<1x16xf32>,
        %swap3A_442 = vector.shape_cast %swap3A_441 : vector<1x16xf32> to vector<16xf32>
        %swap3A_443 = vector.shape_cast %scan3A_420#3 : vector<16xf32> to vector<1x16xf32>
        tpu.vector_store %arg7[%swap3A_439, %swap3A_440], %swap3A_443 {strides = array<i32>} : memref<512x128xf32, #tpu.memory_space<vmem>>, vector<1x16xf32>,
        %swap3A_444 = arith.index_cast %add3A_396 : i32 to index
        %swap3A_445 = arith.constant 64 : index
        %swap3A_446 = tpu.vector_load %arg7[%swap3A_444, %swap3A_445] {strides = array<i32>} : memref<512x128xf32, #tpu.memory_space<vmem>>, vector<1x16xf32>,
        %swap3A_447 = vector.shape_cast %swap3A_446 : vector<1x16xf32> to vector<16xf32>
        %swap3A_448 = vector.shape_cast %broadcast_in_dim3A_423 : vector<16xf32> to vector<1x16xf32>
        tpu.vector_store %arg7[%swap3A_444, %swap3A_445], %swap3A_448 {strides = array<i32>} : memref<512x128xf32, #tpu.memory_space<vmem>>, vector<1x16xf32>,
        %swap3A_449 = arith.index_cast %add3A_396 : i32 to index
        %swap3A_450 = arith.constant 80 : index
        %swap3A_451 = tpu.vector_load %arg7[%swap3A_449, %swap3A_450] {strides = array<i32>} : memref<512x128xf32, #tpu.memory_space<vmem>>, vector<1x16xf32>,
        %swap3A_452 = vector.shape_cast %swap3A_451 : vector<1x16xf32> to vector<16xf32>
        %swap3A_453 = vector.shape_cast %broadcast_in_dim3A_423 : vector<16xf32> to vector<1x16xf32>
        tpu.vector_store %arg7[%swap3A_449, %swap3A_450], %swap3A_453 {strides = array<i32>} : memref<512x128xf32, #tpu.memory_space<vmem>>, vector<1x16xf32>,
        %swap3A_454 = arith.index_cast %add3A_396 : i32 to index
        %swap3A_455 = arith.constant 96 : index
        %swap3A_456 = tpu.vector_load %arg7[%swap3A_454, %swap3A_455] {strides = array<i32>} : memref<512x128xf32, #tpu.memory_space<vmem>>, vector<1x16xf32>,
        %swap3A_457 = vector.shape_cast %swap3A_456 : vector<1x16xf32> to vector<16xf32>
        %swap3A_458 = vector.shape_cast %broadcast_in_dim3A_423 : vector<16xf32> to vector<1x16xf32>
        tpu.vector_store %arg7[%swap3A_454, %swap3A_455], %swap3A_458 {strides = array<i32>} : memref<512x128xf32, #tpu.memory_space<vmem>>, vector<1x16xf32>,
        %swap3A_459 = arith.index_cast %add3A_396 : i32 to index
        %swap3A_460 = arith.constant 112 : index
        %swap3A_461 = tpu.vector_load %arg7[%swap3A_459, %swap3A_460] {strides = array<i32>} : memref<512x128xf32, #tpu.memory_space<vmem>>, vector<1x16xf32>,
        %swap3A_462 = vector.shape_cast %swap3A_461 : vector<1x16xf32> to vector<16xf32>
        %swap3A_463 = vector.shape_cast %broadcast_in_dim3A_423 : vector<16xf32> to vector<1x16xf32>
        tpu.vector_store %arg7[%swap3A_459, %swap3A_460], %swap3A_463 {strides = array<i32>} : memref<512x128xf32, #tpu.memory_space<vmem>>, vector<1x16xf32>,
        %add3A_464 = arith.constant 8 : i32
        %add3A_465 = arith.addi %add3A_393, %add3A_464 : i32
        %sub3A_466 = arith.constant 1 : i32
        %sub3A_467 = arith.subi %add3A_465, %sub3A_466 : i32
        %lt3A_468 = arith.constant 64 : i32
        %lt3A_469 = arith.cmpi slt, %sub3A_467, %lt3A_468 : i32
        %convert_element_type3A_470 = arith.extui %lt3A_469 : i1 to i32
        %cond3A_471 = arith.constant 0 : i32
        %cond3A_472 = arith.cmpi ne, %convert_element_type3A_470, %cond3A_471 : i32
        scf.if %cond3A_472 {
          %dma_start3A_855 = arith.constant 2 : i32
          %dma_start3A_856 = arith.constant 0 : i32
          %dma_start3A_857 = arith.constant 0 : i32
          %dma_start3A_858 = tpu.memref_slice %arg6[%dma_start3A_855, %dma_start3A_856, %dma_start3A_857] : memref<8x56x64xf32, #tpu.memory_space<vmem>> -> memref<1x56x64xf32, #tpu.memory_space<vmem>>
          %dma_start3A_859 = tpu.memref_squeeze %dma_start3A_858 : memref<1x56x64xf32, #tpu.memory_space<vmem>> -> memref<56x64xf32, #tpu.memory_space<vmem>>
          %dma_start3A_860 = arith.constant 0 : i32
          %dma_start3A_861 = tpu.memref_slice %arg5[%rem3A_101, %sub3A_467, %dma_start3A_860] : memref<2x64x128xi32, #tpu.memory_space<vmem>> -> memref<1x1x56xi32, #tpu.memory_space<vmem>>
          %dma_start3A_862 = tpu.memref_squeeze %dma_start3A_861 : memref<1x1x56xi32, #tpu.memory_space<vmem>> -> memref<56xi32, #tpu.memory_space<vmem>>
          %dma_start3A_863 = arith.constant 0 : i32
          %dma_start3A_864 = arith.constant 0 : i32
          %dma_start3A_865 = tpu.memref_slice %arg3[%dma_start3A_863, %dma_start3A_864] : memref<1000000x64xf32, #tpu.memory_space<hbm>> -> memref<1000000x64xf32, #tpu.memory_space<hbm>>
          tpu.enqueue_indirect_dma source(%dma_start3A_865 : memref<1000000x64xf32, #tpu.memory_space<hbm>>) target(%dma_start3A_859 : memref<56x64xf32, #tpu.memory_space<vmem>>) offsets(%dma_start3A_862 : memref<56xi32, #tpu.memory_space<vmem>>) semaphore(%arg10 : memref<!tpu.dma_semaphore, #tpu.memory_space<semaphore_mem>>)
        } else {
        }
        %ge3A_473 = arith.constant 64 : i32
        %ge3A_474 = arith.cmpi sge, %sub3A_467, %ge3A_473 : i32
        %add3A_475 = arith.constant 1 : i32
        %add3A_476 = arith.addi %scan3A_100, %add3A_475 : i32
        %lt3A_477 = arith.constant 8 : i32
        %lt3A_478 = arith.cmpi slt, %add3A_476, %lt3A_477 : i32
        %and3A_479 = arith.andi %ge3A_474, %lt3A_478 : i1
        %convert_element_type3A_480 = arith.extui %and3A_479 : i1 to i32
        %cond3A_481 = arith.constant 0 : i32
        %cond3A_482 = arith.cmpi ne, %convert_element_type3A_480, %cond3A_481 : i32
        scf.if %cond3A_482 {
          %sub3A_855 = arith.constant 64 : i32
          %sub3A_856 = arith.subi %sub3A_467, %sub3A_855 : i32
          %dma_start3A_857 = arith.constant 2 : i32
          %dma_start3A_858 = arith.constant 0 : i32
          %dma_start3A_859 = arith.constant 0 : i32
          %dma_start3A_860 = tpu.memref_slice %arg6[%dma_start3A_857, %dma_start3A_858, %dma_start3A_859] : memref<8x56x64xf32, #tpu.memory_space<vmem>> -> memref<1x56x64xf32, #tpu.memory_space<vmem>>
          %dma_start3A_861 = tpu.memref_squeeze %dma_start3A_860 : memref<1x56x64xf32, #tpu.memory_space<vmem>> -> memref<56x64xf32, #tpu.memory_space<vmem>>
          %dma_start3A_862 = arith.constant 0 : i32
          %dma_start3A_863 = tpu.memref_slice %arg5[%rem3A_105, %sub3A_856, %dma_start3A_862] : memref<2x64x128xi32, #tpu.memory_space<vmem>> -> memref<1x1x56xi32, #tpu.memory_space<vmem>>
          %dma_start3A_864 = tpu.memref_squeeze %dma_start3A_863 : memref<1x1x56xi32, #tpu.memory_space<vmem>> -> memref<56xi32, #tpu.memory_space<vmem>>
          %dma_start3A_865 = arith.constant 0 : i32
          %dma_start3A_866 = arith.constant 0 : i32
          %dma_start3A_867 = tpu.memref_slice %arg3[%dma_start3A_865, %dma_start3A_866] : memref<1000000x64xf32, #tpu.memory_space<hbm>> -> memref<1000000x64xf32, #tpu.memory_space<hbm>>
          tpu.enqueue_indirect_dma source(%dma_start3A_867 : memref<1000000x64xf32, #tpu.memory_space<hbm>>) target(%dma_start3A_861 : memref<56x64xf32, #tpu.memory_space<vmem>>) offsets(%dma_start3A_864 : memref<56xi32, #tpu.memory_space<vmem>>) semaphore(%arg10 : memref<!tpu.dma_semaphore, #tpu.memory_space<semaphore_mem>>)
        } else {
        }
        %mul3A_483 = arith.constant 8 : i32
        %mul3A_484 = arith.muli %scan3A_116, %mul3A_483 : i32
        %add3A_485 = arith.constant 4 : i32
        %add3A_486 = arith.addi %mul3A_484, %add3A_485 : i32
        %mul3A_487 = arith.constant 64 : i32
        %mul3A_488 = arith.muli %scan3A_100, %mul3A_487 : i32
        %add3A_489 = arith.addi %mul3A_488, %add3A_486 : i32
        %dma_wait3A_490 = arith.constant 4 : i32
        %dma_wait3A_491 = arith.constant 0 : i32
        %dma_wait3A_492 = arith.constant 0 : i32
        %dma_wait3A_493 = tpu.memref_slice %arg6[%dma_wait3A_490, %dma_wait3A_491, %dma_wait3A_492] : memref<8x56x64xf32, #tpu.memory_space<vmem>> -> memref<1x56x64xf32, #tpu.memory_space<vmem>>
        %dma_wait3A_494 = tpu.memref_squeeze %dma_wait3A_493 : memref<1x56x64xf32, #tpu.memory_space<vmem>> -> memref<56x64xf32, #tpu.memory_space<vmem>>
        %dma_wait3A_495 = arith.constant 0 : i32
        %dma_wait3A_496 = tpu.memref_slice %arg5[%rem3A_101, %add3A_486, %dma_wait3A_495] : memref<2x64x128xi32, #tpu.memory_space<vmem>> -> memref<1x1x56xi32, #tpu.memory_space<vmem>>
        %dma_wait3A_497 = tpu.memref_squeeze %dma_wait3A_496 : memref<1x1x56xi32, #tpu.memory_space<vmem>> -> memref<56xi32, #tpu.memory_space<vmem>>
        %dma_wait3A_498 = arith.constant 0 : i32
        %dma_wait3A_499 = arith.constant 0 : i32
        %dma_wait3A_500 = tpu.memref_slice %arg3[%dma_wait3A_498, %dma_wait3A_499] : memref<1000000x64xf32, #tpu.memory_space<hbm>> -> memref<1000000x64xf32, #tpu.memory_space<hbm>>
        tpu.wait_indirect_dma semaphore(%arg12 : memref<!tpu.dma_semaphore, #tpu.memory_space<semaphore_mem>>) src(%dma_wait3A_500 : memref<1000000x64xf32, #tpu.memory_space<hbm>>) dst(%dma_wait3A_494 : memref<56x64xf32, #tpu.memory_space<vmem>>)
        %broadcast_in_dim3A_501 = arith.constant 0.000000e+00 : f32
        %broadcast_in_dim3A_502 = vector.broadcast %broadcast_in_dim3A_501 : f32 to vector<16xf32>
        %broadcast_in_dim3A_503 = arith.constant 0.000000e+00 : f32
        %broadcast_in_dim3A_504 = vector.broadcast %broadcast_in_dim3A_503 : f32 to vector<16xf32>
        %broadcast_in_dim3A_505 = arith.constant 0.000000e+00 : f32
        %broadcast_in_dim3A_506 = vector.broadcast %broadcast_in_dim3A_505 : f32 to vector<16xf32>
        %broadcast_in_dim3A_507 = arith.constant 0.000000e+00 : f32
        %broadcast_in_dim3A_508 = vector.broadcast %broadcast_in_dim3A_507 : f32 to vector<16xf32>
        %scan3A_509 = arith.constant 0 : i32
        %scan3A_510 = arith.constant 25 : i32
        %scan3A_511 = arith.addi %scan3A_509, %scan3A_510 : i32
        %scan3A_512 = arith.constant 1 : i32
        %scan3A_513:4 = scf.for %scan3A_855 = %scan3A_509 to %scan3A_511 step %scan3A_512 iter_args(%scan3A_856 = %broadcast_in_dim3A_502, %scan3A_857 = %broadcast_in_dim3A_504, %scan3A_858 = %broadcast_in_dim3A_506, %scan3A_859 = %broadcast_in_dim3A_508) -> (vector<16xf32>, vector<16xf32>, vector<16xf32>, vector<16xf32>)  : i32 {
          %mul3A_860 = arith.constant 2 : i32
          %mul3A_861 = arith.muli %mul3A_860, %scan3A_855 : i32
          %add3A_862 = arith.constant 0 : i32
          %add3A_863 = arith.addi %mul3A_861, %add3A_862 : i32
          %get3A = arith.constant 4 : i32
          %get3A_864 = arith.index_cast %get3A : i32 to index
          %get3A_865 = arith.index_cast %add3A_863 : i32 to index
          %get3A_866 = arith.constant 0 : index
          %get3A_867 = tpu.vector_load %arg6[%get3A_864, %get3A_865, %get3A_866] {strides = array<i32>} : memref<8x56x64xf32, #tpu.memory_space<vmem>>, vector<1x1x16xf32>,
          %get3A_868 = vector.shape_cast %get3A_867 : vector<1x1x16xf32> to vector<16xf32>
          %add3A_869 = arith.addf %scan3A_856, %get3A_868 : vector<16xf32>
          %get3A_870 = arith.constant 4 : i32
          %get3A_871 = arith.index_cast %get3A_870 : i32 to index
          %get3A_872 = arith.index_cast %add3A_863 : i32 to index
          %get3A_873 = arith.constant 16 : index
          %get3A_874 = tpu.vector_load %arg6[%get3A_871, %get3A_872, %get3A_873] {strides = array<i32>} : memref<8x56x64xf32, #tpu.memory_space<vmem>>, vector<1x1x16xf32>,
          %get3A_875 = vector.shape_cast %get3A_874 : vector<1x1x16xf32> to vector<16xf32>
          %add3A_876 = arith.addf %scan3A_857, %get3A_875 : vector<16xf32>
          %get3A_877 = arith.constant 4 : i32
          %get3A_878 = arith.index_cast %get3A_877 : i32 to index
          %get3A_879 = arith.index_cast %add3A_863 : i32 to index
          %get3A_880 = arith.constant 32 : index
          %get3A_881 = tpu.vector_load %arg6[%get3A_878, %get3A_879, %get3A_880] {strides = array<i32>} : memref<8x56x64xf32, #tpu.memory_space<vmem>>, vector<1x1x16xf32>,
          %get3A_882 = vector.shape_cast %get3A_881 : vector<1x1x16xf32> to vector<16xf32>
          %add3A_883 = arith.addf %scan3A_858, %get3A_882 : vector<16xf32>
          %get3A_884 = arith.constant 4 : i32
          %get3A_885 = arith.index_cast %get3A_884 : i32 to index
          %get3A_886 = arith.index_cast %add3A_863 : i32 to index
          %get3A_887 = arith.constant 48 : index
          %get3A_888 = tpu.vector_load %arg6[%get3A_885, %get3A_886, %get3A_887] {strides = array<i32>} : memref<8x56x64xf32, #tpu.memory_space<vmem>>, vector<1x1x16xf32>,
          %get3A_889 = vector.shape_cast %get3A_888 : vector<1x1x16xf32> to vector<16xf32>
          %add3A_890 = arith.addf %scan3A_859, %get3A_889 : vector<16xf32>
          %mul3A_891 = arith.constant 2 : i32
          %mul3A_892 = arith.muli %mul3A_891, %scan3A_855 : i32
          %add3A_893 = arith.constant 1 : i32
          %add3A_894 = arith.addi %mul3A_892, %add3A_893 : i32
          %get3A_895 = arith.constant 4 : i32
          %get3A_896 = arith.index_cast %get3A_895 : i32 to index
          %get3A_897 = arith.index_cast %add3A_894 : i32 to index
          %get3A_898 = arith.constant 0 : index
          %get3A_899 = tpu.vector_load %arg6[%get3A_896, %get3A_897, %get3A_898] {strides = array<i32>} : memref<8x56x64xf32, #tpu.memory_space<vmem>>, vector<1x1x16xf32>,
          %get3A_900 = vector.shape_cast %get3A_899 : vector<1x1x16xf32> to vector<16xf32>
          %add3A_901 = arith.addf %add3A_869, %get3A_900 : vector<16xf32>
          %get3A_902 = arith.constant 4 : i32
          %get3A_903 = arith.index_cast %get3A_902 : i32 to index
          %get3A_904 = arith.index_cast %add3A_894 : i32 to index
          %get3A_905 = arith.constant 16 : index
          %get3A_906 = tpu.vector_load %arg6[%get3A_903, %get3A_904, %get3A_905] {strides = array<i32>} : memref<8x56x64xf32, #tpu.memory_space<vmem>>, vector<1x1x16xf32>,
          %get3A_907 = vector.shape_cast %get3A_906 : vector<1x1x16xf32> to vector<16xf32>
          %add3A_908 = arith.addf %add3A_876, %get3A_907 : vector<16xf32>
          %get3A_909 = arith.constant 4 : i32
          %get3A_910 = arith.index_cast %get3A_909 : i32 to index
          %get3A_911 = arith.index_cast %add3A_894 : i32 to index
          %get3A_912 = arith.constant 32 : index
          %get3A_913 = tpu.vector_load %arg6[%get3A_910, %get3A_911, %get3A_912] {strides = array<i32>} : memref<8x56x64xf32, #tpu.memory_space<vmem>>, vector<1x1x16xf32>,
          %get3A_914 = vector.shape_cast %get3A_913 : vector<1x1x16xf32> to vector<16xf32>
          %add3A_915 = arith.addf %add3A_883, %get3A_914 : vector<16xf32>
          %get3A_916 = arith.constant 4 : i32
          %get3A_917 = arith.index_cast %get3A_916 : i32 to index
          %get3A_918 = arith.index_cast %add3A_894 : i32 to index
          %get3A_919 = arith.constant 48 : index
          %get3A_920 = tpu.vector_load %arg6[%get3A_917, %get3A_918, %get3A_919] {strides = array<i32>} : memref<8x56x64xf32, #tpu.memory_space<vmem>>, vector<1x1x16xf32>,
          %get3A_921 = vector.shape_cast %get3A_920 : vector<1x1x16xf32> to vector<16xf32>
          %add3A_922 = arith.addf %add3A_890, %get3A_921 : vector<16xf32>
          scf.yield %add3A_901, %add3A_908, %add3A_915, %add3A_922 : vector<16xf32>, vector<16xf32>, vector<16xf32>, vector<16xf32>
        }
        %scan3A_514 = arith.constant 25 : i32
        %broadcast_in_dim3A_515 = arith.constant 0.000000e+00 : f32
        %broadcast_in_dim3A_516 = vector.broadcast %broadcast_in_dim3A_515 : f32 to vector<16xf32>
        %swap3A_517 = arith.index_cast %add3A_489 : i32 to index
        %swap3A_518 = arith.constant 0 : index
        %swap3A_519 = tpu.vector_load %arg7[%swap3A_517, %swap3A_518] {strides = array<i32>} : memref<512x128xf32, #tpu.memory_space<vmem>>, vector<1x16xf32>,
        %swap3A_520 = vector.shape_cast %swap3A_519 : vector<1x16xf32> to vector<16xf32>
        %swap3A_521 = vector.shape_cast %scan3A_513#0 : vector<16xf32> to vector<1x16xf32>
        tpu.vector_store %arg7[%swap3A_517, %swap3A_518], %swap3A_521 {strides = array<i32>} : memref<512x128xf32, #tpu.memory_space<vmem>>, vector<1x16xf32>,
        %swap3A_522 = arith.index_cast %add3A_489 : i32 to index
        %swap3A_523 = arith.constant 16 : index
        %swap3A_524 = tpu.vector_load %arg7[%swap3A_522, %swap3A_523] {strides = array<i32>} : memref<512x128xf32, #tpu.memory_space<vmem>>, vector<1x16xf32>,
        %swap3A_525 = vector.shape_cast %swap3A_524 : vector<1x16xf32> to vector<16xf32>
        %swap3A_526 = vector.shape_cast %scan3A_513#1 : vector<16xf32> to vector<1x16xf32>
        tpu.vector_store %arg7[%swap3A_522, %swap3A_523], %swap3A_526 {strides = array<i32>} : memref<512x128xf32, #tpu.memory_space<vmem>>, vector<1x16xf32>,
        %swap3A_527 = arith.index_cast %add3A_489 : i32 to index
        %swap3A_528 = arith.constant 32 : index
        %swap3A_529 = tpu.vector_load %arg7[%swap3A_527, %swap3A_528] {strides = array<i32>} : memref<512x128xf32, #tpu.memory_space<vmem>>, vector<1x16xf32>,
        %swap3A_530 = vector.shape_cast %swap3A_529 : vector<1x16xf32> to vector<16xf32>
        %swap3A_531 = vector.shape_cast %scan3A_513#2 : vector<16xf32> to vector<1x16xf32>
        tpu.vector_store %arg7[%swap3A_527, %swap3A_528], %swap3A_531 {strides = array<i32>} : memref<512x128xf32, #tpu.memory_space<vmem>>, vector<1x16xf32>,
        %swap3A_532 = arith.index_cast %add3A_489 : i32 to index
        %swap3A_533 = arith.constant 48 : index
        %swap3A_534 = tpu.vector_load %arg7[%swap3A_532, %swap3A_533] {strides = array<i32>} : memref<512x128xf32, #tpu.memory_space<vmem>>, vector<1x16xf32>,
        %swap3A_535 = vector.shape_cast %swap3A_534 : vector<1x16xf32> to vector<16xf32>
        %swap3A_536 = vector.shape_cast %scan3A_513#3 : vector<16xf32> to vector<1x16xf32>
        tpu.vector_store %arg7[%swap3A_532, %swap3A_533], %swap3A_536 {strides = array<i32>} : memref<512x128xf32, #tpu.memory_space<vmem>>, vector<1x16xf32>,
        %swap3A_537 = arith.index_cast %add3A_489 : i32 to index
        %swap3A_538 = arith.constant 64 : index
        %swap3A_539 = tpu.vector_load %arg7[%swap3A_537, %swap3A_538] {strides = array<i32>} : memref<512x128xf32, #tpu.memory_space<vmem>>, vector<1x16xf32>,
        %swap3A_540 = vector.shape_cast %swap3A_539 : vector<1x16xf32> to vector<16xf32>
        %swap3A_541 = vector.shape_cast %broadcast_in_dim3A_516 : vector<16xf32> to vector<1x16xf32>
        tpu.vector_store %arg7[%swap3A_537, %swap3A_538], %swap3A_541 {strides = array<i32>} : memref<512x128xf32, #tpu.memory_space<vmem>>, vector<1x16xf32>,
        %swap3A_542 = arith.index_cast %add3A_489 : i32 to index
        %swap3A_543 = arith.constant 80 : index
        %swap3A_544 = tpu.vector_load %arg7[%swap3A_542, %swap3A_543] {strides = array<i32>} : memref<512x128xf32, #tpu.memory_space<vmem>>, vector<1x16xf32>,
        %swap3A_545 = vector.shape_cast %swap3A_544 : vector<1x16xf32> to vector<16xf32>
        %swap3A_546 = vector.shape_cast %broadcast_in_dim3A_516 : vector<16xf32> to vector<1x16xf32>
        tpu.vector_store %arg7[%swap3A_542, %swap3A_543], %swap3A_546 {strides = array<i32>} : memref<512x128xf32, #tpu.memory_space<vmem>>, vector<1x16xf32>,
        %swap3A_547 = arith.index_cast %add3A_489 : i32 to index
        %swap3A_548 = arith.constant 96 : index
        %swap3A_549 = tpu.vector_load %arg7[%swap3A_547, %swap3A_548] {strides = array<i32>} : memref<512x128xf32, #tpu.memory_space<vmem>>, vector<1x16xf32>,
        %swap3A_550 = vector.shape_cast %swap3A_549 : vector<1x16xf32> to vector<16xf32>
        %swap3A_551 = vector.shape_cast %broadcast_in_dim3A_516 : vector<16xf32> to vector<1x16xf32>
        tpu.vector_store %arg7[%swap3A_547, %swap3A_548], %swap3A_551 {strides = array<i32>} : memref<512x128xf32, #tpu.memory_space<vmem>>, vector<1x16xf32>,
        %swap3A_552 = arith.index_cast %add3A_489 : i32 to index
        %swap3A_553 = arith.constant 112 : index
        %swap3A_554 = tpu.vector_load %arg7[%swap3A_552, %swap3A_553] {strides = array<i32>} : memref<512x128xf32, #tpu.memory_space<vmem>>, vector<1x16xf32>,
        %swap3A_555 = vector.shape_cast %swap3A_554 : vector<1x16xf32> to vector<16xf32>
        %swap3A_556 = vector.shape_cast %broadcast_in_dim3A_516 : vector<16xf32> to vector<1x16xf32>
        tpu.vector_store %arg7[%swap3A_552, %swap3A_553], %swap3A_556 {strides = array<i32>} : memref<512x128xf32, #tpu.memory_space<vmem>>, vector<1x16xf32>,
        %add3A_557 = arith.constant 8 : i32
        %add3A_558 = arith.addi %add3A_486, %add3A_557 : i32
        %sub3A_559 = arith.constant 1 : i32
        %sub3A_560 = arith.subi %add3A_558, %sub3A_559 : i32
        %lt3A_561 = arith.constant 64 : i32
        %lt3A_562 = arith.cmpi slt, %sub3A_560, %lt3A_561 : i32
        %convert_element_type3A_563 = arith.extui %lt3A_562 : i1 to i32
        %cond3A_564 = arith.constant 0 : i32
        %cond3A_565 = arith.cmpi ne, %convert_element_type3A_563, %cond3A_564 : i32
        scf.if %cond3A_565 {
          %dma_start3A_855 = arith.constant 3 : i32
          %dma_start3A_856 = arith.constant 0 : i32
          %dma_start3A_857 = arith.constant 0 : i32
          %dma_start3A_858 = tpu.memref_slice %arg6[%dma_start3A_855, %dma_start3A_856, %dma_start3A_857] : memref<8x56x64xf32, #tpu.memory_space<vmem>> -> memref<1x56x64xf32, #tpu.memory_space<vmem>>
          %dma_start3A_859 = tpu.memref_squeeze %dma_start3A_858 : memref<1x56x64xf32, #tpu.memory_space<vmem>> -> memref<56x64xf32, #tpu.memory_space<vmem>>
          %dma_start3A_860 = arith.constant 0 : i32
          %dma_start3A_861 = tpu.memref_slice %arg5[%rem3A_101, %sub3A_560, %dma_start3A_860] : memref<2x64x128xi32, #tpu.memory_space<vmem>> -> memref<1x1x56xi32, #tpu.memory_space<vmem>>
          %dma_start3A_862 = tpu.memref_squeeze %dma_start3A_861 : memref<1x1x56xi32, #tpu.memory_space<vmem>> -> memref<56xi32, #tpu.memory_space<vmem>>
          %dma_start3A_863 = arith.constant 0 : i32
          %dma_start3A_864 = arith.constant 0 : i32
          %dma_start3A_865 = tpu.memref_slice %arg3[%dma_start3A_863, %dma_start3A_864] : memref<1000000x64xf32, #tpu.memory_space<hbm>> -> memref<1000000x64xf32, #tpu.memory_space<hbm>>
          tpu.enqueue_indirect_dma source(%dma_start3A_865 : memref<1000000x64xf32, #tpu.memory_space<hbm>>) target(%dma_start3A_859 : memref<56x64xf32, #tpu.memory_space<vmem>>) offsets(%dma_start3A_862 : memref<56xi32, #tpu.memory_space<vmem>>) semaphore(%arg11 : memref<!tpu.dma_semaphore, #tpu.memory_space<semaphore_mem>>)
        } else {
        }
        %ge3A_566 = arith.constant 64 : i32
        %ge3A_567 = arith.cmpi sge, %sub3A_560, %ge3A_566 : i32
        %add3A_568 = arith.constant 1 : i32
        %add3A_569 = arith.addi %scan3A_100, %add3A_568 : i32
        %lt3A_570 = arith.constant 8 : i32
        %lt3A_571 = arith.cmpi slt, %add3A_569, %lt3A_570 : i32
        %and3A_572 = arith.andi %ge3A_567, %lt3A_571 : i1
        %convert_element_type3A_573 = arith.extui %and3A_572 : i1 to i32
        %cond3A_574 = arith.constant 0 : i32
        %cond3A_575 = arith.cmpi ne, %convert_element_type3A_573, %cond3A_574 : i32
        scf.if %cond3A_575 {
          %sub3A_855 = arith.constant 64 : i32
          %sub3A_856 = arith.subi %sub3A_560, %sub3A_855 : i32
          %dma_start3A_857 = arith.constant 3 : i32
          %dma_start3A_858 = arith.constant 0 : i32
          %dma_start3A_859 = arith.constant 0 : i32
          %dma_start3A_860 = tpu.memref_slice %arg6[%dma_start3A_857, %dma_start3A_858, %dma_start3A_859] : memref<8x56x64xf32, #tpu.memory_space<vmem>> -> memref<1x56x64xf32, #tpu.memory_space<vmem>>
          %dma_start3A_861 = tpu.memref_squeeze %dma_start3A_860 : memref<1x56x64xf32, #tpu.memory_space<vmem>> -> memref<56x64xf32, #tpu.memory_space<vmem>>
          %dma_start3A_862 = arith.constant 0 : i32
          %dma_start3A_863 = tpu.memref_slice %arg5[%rem3A_105, %sub3A_856, %dma_start3A_862] : memref<2x64x128xi32, #tpu.memory_space<vmem>> -> memref<1x1x56xi32, #tpu.memory_space<vmem>>
          %dma_start3A_864 = tpu.memref_squeeze %dma_start3A_863 : memref<1x1x56xi32, #tpu.memory_space<vmem>> -> memref<56xi32, #tpu.memory_space<vmem>>
          %dma_start3A_865 = arith.constant 0 : i32
          %dma_start3A_866 = arith.constant 0 : i32
          %dma_start3A_867 = tpu.memref_slice %arg3[%dma_start3A_865, %dma_start3A_866] : memref<1000000x64xf32, #tpu.memory_space<hbm>> -> memref<1000000x64xf32, #tpu.memory_space<hbm>>
          tpu.enqueue_indirect_dma source(%dma_start3A_867 : memref<1000000x64xf32, #tpu.memory_space<hbm>>) target(%dma_start3A_861 : memref<56x64xf32, #tpu.memory_space<vmem>>) offsets(%dma_start3A_864 : memref<56xi32, #tpu.memory_space<vmem>>) semaphore(%arg11 : memref<!tpu.dma_semaphore, #tpu.memory_space<semaphore_mem>>)
        } else {
        }
        %mul3A_576 = arith.constant 8 : i32
        %mul3A_577 = arith.muli %scan3A_116, %mul3A_576 : i32
        %add3A_578 = arith.constant 5 : i32
        %add3A_579 = arith.addi %mul3A_577, %add3A_578 : i32
        %mul3A_580 = arith.constant 64 : i32
        %mul3A_581 = arith.muli %scan3A_100, %mul3A_580 : i32
        %add3A_582 = arith.addi %mul3A_581, %add3A_579 : i32
        %dma_wait3A_583 = arith.constant 5 : i32
        %dma_wait3A_584 = arith.constant 0 : i32
        %dma_wait3A_585 = arith.constant 0 : i32
        %dma_wait3A_586 = tpu.memref_slice %arg6[%dma_wait3A_583, %dma_wait3A_584, %dma_wait3A_585] : memref<8x56x64xf32, #tpu.memory_space<vmem>> -> memref<1x56x64xf32, #tpu.memory_space<vmem>>
        %dma_wait3A_587 = tpu.memref_squeeze %dma_wait3A_586 : memref<1x56x64xf32, #tpu.memory_space<vmem>> -> memref<56x64xf32, #tpu.memory_space<vmem>>
        %dma_wait3A_588 = arith.constant 0 : i32
        %dma_wait3A_589 = tpu.memref_slice %arg5[%rem3A_101, %add3A_579, %dma_wait3A_588] : memref<2x64x128xi32, #tpu.memory_space<vmem>> -> memref<1x1x56xi32, #tpu.memory_space<vmem>>
        %dma_wait3A_590 = tpu.memref_squeeze %dma_wait3A_589 : memref<1x1x56xi32, #tpu.memory_space<vmem>> -> memref<56xi32, #tpu.memory_space<vmem>>
        %dma_wait3A_591 = arith.constant 0 : i32
        %dma_wait3A_592 = arith.constant 0 : i32
        %dma_wait3A_593 = tpu.memref_slice %arg3[%dma_wait3A_591, %dma_wait3A_592] : memref<1000000x64xf32, #tpu.memory_space<hbm>> -> memref<1000000x64xf32, #tpu.memory_space<hbm>>
        tpu.wait_indirect_dma semaphore(%arg13 : memref<!tpu.dma_semaphore, #tpu.memory_space<semaphore_mem>>) src(%dma_wait3A_593 : memref<1000000x64xf32, #tpu.memory_space<hbm>>) dst(%dma_wait3A_587 : memref<56x64xf32, #tpu.memory_space<vmem>>)
        %broadcast_in_dim3A_594 = arith.constant 0.000000e+00 : f32
        %broadcast_in_dim3A_595 = vector.broadcast %broadcast_in_dim3A_594 : f32 to vector<16xf32>
        %broadcast_in_dim3A_596 = arith.constant 0.000000e+00 : f32
        %broadcast_in_dim3A_597 = vector.broadcast %broadcast_in_dim3A_596 : f32 to vector<16xf32>
        %broadcast_in_dim3A_598 = arith.constant 0.000000e+00 : f32
        %broadcast_in_dim3A_599 = vector.broadcast %broadcast_in_dim3A_598 : f32 to vector<16xf32>
        %broadcast_in_dim3A_600 = arith.constant 0.000000e+00 : f32
        %broadcast_in_dim3A_601 = vector.broadcast %broadcast_in_dim3A_600 : f32 to vector<16xf32>
        %scan3A_602 = arith.constant 0 : i32
        %scan3A_603 = arith.constant 25 : i32
        %scan3A_604 = arith.addi %scan3A_602, %scan3A_603 : i32
        %scan3A_605 = arith.constant 1 : i32
        %scan3A_606:4 = scf.for %scan3A_855 = %scan3A_602 to %scan3A_604 step %scan3A_605 iter_args(%scan3A_856 = %broadcast_in_dim3A_595, %scan3A_857 = %broadcast_in_dim3A_597, %scan3A_858 = %broadcast_in_dim3A_599, %scan3A_859 = %broadcast_in_dim3A_601) -> (vector<16xf32>, vector<16xf32>, vector<16xf32>, vector<16xf32>)  : i32 {
          %mul3A_860 = arith.constant 2 : i32
          %mul3A_861 = arith.muli %mul3A_860, %scan3A_855 : i32
          %add3A_862 = arith.constant 0 : i32
          %add3A_863 = arith.addi %mul3A_861, %add3A_862 : i32
          %get3A = arith.constant 5 : i32
          %get3A_864 = arith.index_cast %get3A : i32 to index
          %get3A_865 = arith.index_cast %add3A_863 : i32 to index
          %get3A_866 = arith.constant 0 : index
          %get3A_867 = tpu.vector_load %arg6[%get3A_864, %get3A_865, %get3A_866] {strides = array<i32>} : memref<8x56x64xf32, #tpu.memory_space<vmem>>, vector<1x1x16xf32>,
          %get3A_868 = vector.shape_cast %get3A_867 : vector<1x1x16xf32> to vector<16xf32>
          %add3A_869 = arith.addf %scan3A_856, %get3A_868 : vector<16xf32>
          %get3A_870 = arith.constant 5 : i32
          %get3A_871 = arith.index_cast %get3A_870 : i32 to index
          %get3A_872 = arith.index_cast %add3A_863 : i32 to index
          %get3A_873 = arith.constant 16 : index
          %get3A_874 = tpu.vector_load %arg6[%get3A_871, %get3A_872, %get3A_873] {strides = array<i32>} : memref<8x56x64xf32, #tpu.memory_space<vmem>>, vector<1x1x16xf32>,
          %get3A_875 = vector.shape_cast %get3A_874 : vector<1x1x16xf32> to vector<16xf32>
          %add3A_876 = arith.addf %scan3A_857, %get3A_875 : vector<16xf32>
          %get3A_877 = arith.constant 5 : i32
          %get3A_878 = arith.index_cast %get3A_877 : i32 to index
          %get3A_879 = arith.index_cast %add3A_863 : i32 to index
          %get3A_880 = arith.constant 32 : index
          %get3A_881 = tpu.vector_load %arg6[%get3A_878, %get3A_879, %get3A_880] {strides = array<i32>} : memref<8x56x64xf32, #tpu.memory_space<vmem>>, vector<1x1x16xf32>,
          %get3A_882 = vector.shape_cast %get3A_881 : vector<1x1x16xf32> to vector<16xf32>
          %add3A_883 = arith.addf %scan3A_858, %get3A_882 : vector<16xf32>
          %get3A_884 = arith.constant 5 : i32
          %get3A_885 = arith.index_cast %get3A_884 : i32 to index
          %get3A_886 = arith.index_cast %add3A_863 : i32 to index
          %get3A_887 = arith.constant 48 : index
          %get3A_888 = tpu.vector_load %arg6[%get3A_885, %get3A_886, %get3A_887] {strides = array<i32>} : memref<8x56x64xf32, #tpu.memory_space<vmem>>, vector<1x1x16xf32>,
          %get3A_889 = vector.shape_cast %get3A_888 : vector<1x1x16xf32> to vector<16xf32>
          %add3A_890 = arith.addf %scan3A_859, %get3A_889 : vector<16xf32>
          %mul3A_891 = arith.constant 2 : i32
          %mul3A_892 = arith.muli %mul3A_891, %scan3A_855 : i32
          %add3A_893 = arith.constant 1 : i32
          %add3A_894 = arith.addi %mul3A_892, %add3A_893 : i32
          %get3A_895 = arith.constant 5 : i32
          %get3A_896 = arith.index_cast %get3A_895 : i32 to index
          %get3A_897 = arith.index_cast %add3A_894 : i32 to index
          %get3A_898 = arith.constant 0 : index
          %get3A_899 = tpu.vector_load %arg6[%get3A_896, %get3A_897, %get3A_898] {strides = array<i32>} : memref<8x56x64xf32, #tpu.memory_space<vmem>>, vector<1x1x16xf32>,
          %get3A_900 = vector.shape_cast %get3A_899 : vector<1x1x16xf32> to vector<16xf32>
          %add3A_901 = arith.addf %add3A_869, %get3A_900 : vector<16xf32>
          %get3A_902 = arith.constant 5 : i32
          %get3A_903 = arith.index_cast %get3A_902 : i32 to index
          %get3A_904 = arith.index_cast %add3A_894 : i32 to index
          %get3A_905 = arith.constant 16 : index
          %get3A_906 = tpu.vector_load %arg6[%get3A_903, %get3A_904, %get3A_905] {strides = array<i32>} : memref<8x56x64xf32, #tpu.memory_space<vmem>>, vector<1x1x16xf32>,
          %get3A_907 = vector.shape_cast %get3A_906 : vector<1x1x16xf32> to vector<16xf32>
          %add3A_908 = arith.addf %add3A_876, %get3A_907 : vector<16xf32>
          %get3A_909 = arith.constant 5 : i32
          %get3A_910 = arith.index_cast %get3A_909 : i32 to index
          %get3A_911 = arith.index_cast %add3A_894 : i32 to index
          %get3A_912 = arith.constant 32 : index
          %get3A_913 = tpu.vector_load %arg6[%get3A_910, %get3A_911, %get3A_912] {strides = array<i32>} : memref<8x56x64xf32, #tpu.memory_space<vmem>>, vector<1x1x16xf32>,
          %get3A_914 = vector.shape_cast %get3A_913 : vector<1x1x16xf32> to vector<16xf32>
          %add3A_915 = arith.addf %add3A_883, %get3A_914 : vector<16xf32>
          %get3A_916 = arith.constant 5 : i32
          %get3A_917 = arith.index_cast %get3A_916 : i32 to index
          %get3A_918 = arith.index_cast %add3A_894 : i32 to index
          %get3A_919 = arith.constant 48 : index
          %get3A_920 = tpu.vector_load %arg6[%get3A_917, %get3A_918, %get3A_919] {strides = array<i32>} : memref<8x56x64xf32, #tpu.memory_space<vmem>>, vector<1x1x16xf32>,
          %get3A_921 = vector.shape_cast %get3A_920 : vector<1x1x16xf32> to vector<16xf32>
          %add3A_922 = arith.addf %add3A_890, %get3A_921 : vector<16xf32>
          scf.yield %add3A_901, %add3A_908, %add3A_915, %add3A_922 : vector<16xf32>, vector<16xf32>, vector<16xf32>, vector<16xf32>
        }
        %scan3A_607 = arith.constant 25 : i32
        %broadcast_in_dim3A_608 = arith.constant 0.000000e+00 : f32
        %broadcast_in_dim3A_609 = vector.broadcast %broadcast_in_dim3A_608 : f32 to vector<16xf32>
        %swap3A_610 = arith.index_cast %add3A_582 : i32 to index
        %swap3A_611 = arith.constant 0 : index
        %swap3A_612 = tpu.vector_load %arg7[%swap3A_610, %swap3A_611] {strides = array<i32>} : memref<512x128xf32, #tpu.memory_space<vmem>>, vector<1x16xf32>,
        %swap3A_613 = vector.shape_cast %swap3A_612 : vector<1x16xf32> to vector<16xf32>
        %swap3A_614 = vector.shape_cast %scan3A_606#0 : vector<16xf32> to vector<1x16xf32>
        tpu.vector_store %arg7[%swap3A_610, %swap3A_611], %swap3A_614 {strides = array<i32>} : memref<512x128xf32, #tpu.memory_space<vmem>>, vector<1x16xf32>,
        %swap3A_615 = arith.index_cast %add3A_582 : i32 to index
        %swap3A_616 = arith.constant 16 : index
        %swap3A_617 = tpu.vector_load %arg7[%swap3A_615, %swap3A_616] {strides = array<i32>} : memref<512x128xf32, #tpu.memory_space<vmem>>, vector<1x16xf32>,
        %swap3A_618 = vector.shape_cast %swap3A_617 : vector<1x16xf32> to vector<16xf32>
        %swap3A_619 = vector.shape_cast %scan3A_606#1 : vector<16xf32> to vector<1x16xf32>
        tpu.vector_store %arg7[%swap3A_615, %swap3A_616], %swap3A_619 {strides = array<i32>} : memref<512x128xf32, #tpu.memory_space<vmem>>, vector<1x16xf32>,
        %swap3A_620 = arith.index_cast %add3A_582 : i32 to index
        %swap3A_621 = arith.constant 32 : index
        %swap3A_622 = tpu.vector_load %arg7[%swap3A_620, %swap3A_621] {strides = array<i32>} : memref<512x128xf32, #tpu.memory_space<vmem>>, vector<1x16xf32>,
        %swap3A_623 = vector.shape_cast %swap3A_622 : vector<1x16xf32> to vector<16xf32>
        %swap3A_624 = vector.shape_cast %scan3A_606#2 : vector<16xf32> to vector<1x16xf32>
        tpu.vector_store %arg7[%swap3A_620, %swap3A_621], %swap3A_624 {strides = array<i32>} : memref<512x128xf32, #tpu.memory_space<vmem>>, vector<1x16xf32>,
        %swap3A_625 = arith.index_cast %add3A_582 : i32 to index
        %swap3A_626 = arith.constant 48 : index
        %swap3A_627 = tpu.vector_load %arg7[%swap3A_625, %swap3A_626] {strides = array<i32>} : memref<512x128xf32, #tpu.memory_space<vmem>>, vector<1x16xf32>,
        %swap3A_628 = vector.shape_cast %swap3A_627 : vector<1x16xf32> to vector<16xf32>
        %swap3A_629 = vector.shape_cast %scan3A_606#3 : vector<16xf32> to vector<1x16xf32>
        tpu.vector_store %arg7[%swap3A_625, %swap3A_626], %swap3A_629 {strides = array<i32>} : memref<512x128xf32, #tpu.memory_space<vmem>>, vector<1x16xf32>,
        %swap3A_630 = arith.index_cast %add3A_582 : i32 to index
        %swap3A_631 = arith.constant 64 : index
        %swap3A_632 = tpu.vector_load %arg7[%swap3A_630, %swap3A_631] {strides = array<i32>} : memref<512x128xf32, #tpu.memory_space<vmem>>, vector<1x16xf32>,
        %swap3A_633 = vector.shape_cast %swap3A_632 : vector<1x16xf32> to vector<16xf32>
        %swap3A_634 = vector.shape_cast %broadcast_in_dim3A_609 : vector<16xf32> to vector<1x16xf32>
        tpu.vector_store %arg7[%swap3A_630, %swap3A_631], %swap3A_634 {strides = array<i32>} : memref<512x128xf32, #tpu.memory_space<vmem>>, vector<1x16xf32>,
        %swap3A_635 = arith.index_cast %add3A_582 : i32 to index
        %swap3A_636 = arith.constant 80 : index
        %swap3A_637 = tpu.vector_load %arg7[%swap3A_635, %swap3A_636] {strides = array<i32>} : memref<512x128xf32, #tpu.memory_space<vmem>>, vector<1x16xf32>,
        %swap3A_638 = vector.shape_cast %swap3A_637 : vector<1x16xf32> to vector<16xf32>
        %swap3A_639 = vector.shape_cast %broadcast_in_dim3A_609 : vector<16xf32> to vector<1x16xf32>
        tpu.vector_store %arg7[%swap3A_635, %swap3A_636], %swap3A_639 {strides = array<i32>} : memref<512x128xf32, #tpu.memory_space<vmem>>, vector<1x16xf32>,
        %swap3A_640 = arith.index_cast %add3A_582 : i32 to index
        %swap3A_641 = arith.constant 96 : index
        %swap3A_642 = tpu.vector_load %arg7[%swap3A_640, %swap3A_641] {strides = array<i32>} : memref<512x128xf32, #tpu.memory_space<vmem>>, vector<1x16xf32>,
        %swap3A_643 = vector.shape_cast %swap3A_642 : vector<1x16xf32> to vector<16xf32>
        %swap3A_644 = vector.shape_cast %broadcast_in_dim3A_609 : vector<16xf32> to vector<1x16xf32>
        tpu.vector_store %arg7[%swap3A_640, %swap3A_641], %swap3A_644 {strides = array<i32>} : memref<512x128xf32, #tpu.memory_space<vmem>>, vector<1x16xf32>,
        %swap3A_645 = arith.index_cast %add3A_582 : i32 to index
        %swap3A_646 = arith.constant 112 : index
        %swap3A_647 = tpu.vector_load %arg7[%swap3A_645, %swap3A_646] {strides = array<i32>} : memref<512x128xf32, #tpu.memory_space<vmem>>, vector<1x16xf32>,
        %swap3A_648 = vector.shape_cast %swap3A_647 : vector<1x16xf32> to vector<16xf32>
        %swap3A_649 = vector.shape_cast %broadcast_in_dim3A_609 : vector<16xf32> to vector<1x16xf32>
        tpu.vector_store %arg7[%swap3A_645, %swap3A_646], %swap3A_649 {strides = array<i32>} : memref<512x128xf32, #tpu.memory_space<vmem>>, vector<1x16xf32>,
        %add3A_650 = arith.constant 8 : i32
        %add3A_651 = arith.addi %add3A_579, %add3A_650 : i32
        %sub3A_652 = arith.constant 1 : i32
        %sub3A_653 = arith.subi %add3A_651, %sub3A_652 : i32
        %lt3A_654 = arith.constant 64 : i32
        %lt3A_655 = arith.cmpi slt, %sub3A_653, %lt3A_654 : i32
        %convert_element_type3A_656 = arith.extui %lt3A_655 : i1 to i32
        %cond3A_657 = arith.constant 0 : i32
        %cond3A_658 = arith.cmpi ne, %convert_element_type3A_656, %cond3A_657 : i32
        scf.if %cond3A_658 {
          %dma_start3A_855 = arith.constant 4 : i32
          %dma_start3A_856 = arith.constant 0 : i32
          %dma_start3A_857 = arith.constant 0 : i32
          %dma_start3A_858 = tpu.memref_slice %arg6[%dma_start3A_855, %dma_start3A_856, %dma_start3A_857] : memref<8x56x64xf32, #tpu.memory_space<vmem>> -> memref<1x56x64xf32, #tpu.memory_space<vmem>>
          %dma_start3A_859 = tpu.memref_squeeze %dma_start3A_858 : memref<1x56x64xf32, #tpu.memory_space<vmem>> -> memref<56x64xf32, #tpu.memory_space<vmem>>
          %dma_start3A_860 = arith.constant 0 : i32
          %dma_start3A_861 = tpu.memref_slice %arg5[%rem3A_101, %sub3A_653, %dma_start3A_860] : memref<2x64x128xi32, #tpu.memory_space<vmem>> -> memref<1x1x56xi32, #tpu.memory_space<vmem>>
          %dma_start3A_862 = tpu.memref_squeeze %dma_start3A_861 : memref<1x1x56xi32, #tpu.memory_space<vmem>> -> memref<56xi32, #tpu.memory_space<vmem>>
          %dma_start3A_863 = arith.constant 0 : i32
          %dma_start3A_864 = arith.constant 0 : i32
          %dma_start3A_865 = tpu.memref_slice %arg3[%dma_start3A_863, %dma_start3A_864] : memref<1000000x64xf32, #tpu.memory_space<hbm>> -> memref<1000000x64xf32, #tpu.memory_space<hbm>>
          tpu.enqueue_indirect_dma source(%dma_start3A_865 : memref<1000000x64xf32, #tpu.memory_space<hbm>>) target(%dma_start3A_859 : memref<56x64xf32, #tpu.memory_space<vmem>>) offsets(%dma_start3A_862 : memref<56xi32, #tpu.memory_space<vmem>>) semaphore(%arg12 : memref<!tpu.dma_semaphore, #tpu.memory_space<semaphore_mem>>)
        } else {
        }
        %ge3A_659 = arith.constant 64 : i32
        %ge3A_660 = arith.cmpi sge, %sub3A_653, %ge3A_659 : i32
        %add3A_661 = arith.constant 1 : i32
        %add3A_662 = arith.addi %scan3A_100, %add3A_661 : i32
        %lt3A_663 = arith.constant 8 : i32
        %lt3A_664 = arith.cmpi slt, %add3A_662, %lt3A_663 : i32
        %and3A_665 = arith.andi %ge3A_660, %lt3A_664 : i1
        %convert_element_type3A_666 = arith.extui %and3A_665 : i1 to i32
        %cond3A_667 = arith.constant 0 : i32
        %cond3A_668 = arith.cmpi ne, %convert_element_type3A_666, %cond3A_667 : i32
        scf.if %cond3A_668 {
          %sub3A_855 = arith.constant 64 : i32
          %sub3A_856 = arith.subi %sub3A_653, %sub3A_855 : i32
          %dma_start3A_857 = arith.constant 4 : i32
          %dma_start3A_858 = arith.constant 0 : i32
          %dma_start3A_859 = arith.constant 0 : i32
          %dma_start3A_860 = tpu.memref_slice %arg6[%dma_start3A_857, %dma_start3A_858, %dma_start3A_859] : memref<8x56x64xf32, #tpu.memory_space<vmem>> -> memref<1x56x64xf32, #tpu.memory_space<vmem>>
          %dma_start3A_861 = tpu.memref_squeeze %dma_start3A_860 : memref<1x56x64xf32, #tpu.memory_space<vmem>> -> memref<56x64xf32, #tpu.memory_space<vmem>>
          %dma_start3A_862 = arith.constant 0 : i32
          %dma_start3A_863 = tpu.memref_slice %arg5[%rem3A_105, %sub3A_856, %dma_start3A_862] : memref<2x64x128xi32, #tpu.memory_space<vmem>> -> memref<1x1x56xi32, #tpu.memory_space<vmem>>
          %dma_start3A_864 = tpu.memref_squeeze %dma_start3A_863 : memref<1x1x56xi32, #tpu.memory_space<vmem>> -> memref<56xi32, #tpu.memory_space<vmem>>
          %dma_start3A_865 = arith.constant 0 : i32
          %dma_start3A_866 = arith.constant 0 : i32
          %dma_start3A_867 = tpu.memref_slice %arg3[%dma_start3A_865, %dma_start3A_866] : memref<1000000x64xf32, #tpu.memory_space<hbm>> -> memref<1000000x64xf32, #tpu.memory_space<hbm>>
          tpu.enqueue_indirect_dma source(%dma_start3A_867 : memref<1000000x64xf32, #tpu.memory_space<hbm>>) target(%dma_start3A_861 : memref<56x64xf32, #tpu.memory_space<vmem>>) offsets(%dma_start3A_864 : memref<56xi32, #tpu.memory_space<vmem>>) semaphore(%arg12 : memref<!tpu.dma_semaphore, #tpu.memory_space<semaphore_mem>>)
        } else {
        }
        %mul3A_669 = arith.constant 8 : i32
        %mul3A_670 = arith.muli %scan3A_116, %mul3A_669 : i32
        %add3A_671 = arith.constant 6 : i32
        %add3A_672 = arith.addi %mul3A_670, %add3A_671 : i32
        %mul3A_673 = arith.constant 64 : i32
        %mul3A_674 = arith.muli %scan3A_100, %mul3A_673 : i32
        %add3A_675 = arith.addi %mul3A_674, %add3A_672 : i32
        %dma_wait3A_676 = arith.constant 6 : i32
        %dma_wait3A_677 = arith.constant 0 : i32
        %dma_wait3A_678 = arith.constant 0 : i32
        %dma_wait3A_679 = tpu.memref_slice %arg6[%dma_wait3A_676, %dma_wait3A_677, %dma_wait3A_678] : memref<8x56x64xf32, #tpu.memory_space<vmem>> -> memref<1x56x64xf32, #tpu.memory_space<vmem>>
        %dma_wait3A_680 = tpu.memref_squeeze %dma_wait3A_679 : memref<1x56x64xf32, #tpu.memory_space<vmem>> -> memref<56x64xf32, #tpu.memory_space<vmem>>
        %dma_wait3A_681 = arith.constant 0 : i32
        %dma_wait3A_682 = tpu.memref_slice %arg5[%rem3A_101, %add3A_672, %dma_wait3A_681] : memref<2x64x128xi32, #tpu.memory_space<vmem>> -> memref<1x1x56xi32, #tpu.memory_space<vmem>>
        %dma_wait3A_683 = tpu.memref_squeeze %dma_wait3A_682 : memref<1x1x56xi32, #tpu.memory_space<vmem>> -> memref<56xi32, #tpu.memory_space<vmem>>
        %dma_wait3A_684 = arith.constant 0 : i32
        %dma_wait3A_685 = arith.constant 0 : i32
        %dma_wait3A_686 = tpu.memref_slice %arg3[%dma_wait3A_684, %dma_wait3A_685] : memref<1000000x64xf32, #tpu.memory_space<hbm>> -> memref<1000000x64xf32, #tpu.memory_space<hbm>>
        tpu.wait_indirect_dma semaphore(%arg14 : memref<!tpu.dma_semaphore, #tpu.memory_space<semaphore_mem>>) src(%dma_wait3A_686 : memref<1000000x64xf32, #tpu.memory_space<hbm>>) dst(%dma_wait3A_680 : memref<56x64xf32, #tpu.memory_space<vmem>>)
        %broadcast_in_dim3A_687 = arith.constant 0.000000e+00 : f32
        %broadcast_in_dim3A_688 = vector.broadcast %broadcast_in_dim3A_687 : f32 to vector<16xf32>
        %broadcast_in_dim3A_689 = arith.constant 0.000000e+00 : f32
        %broadcast_in_dim3A_690 = vector.broadcast %broadcast_in_dim3A_689 : f32 to vector<16xf32>
        %broadcast_in_dim3A_691 = arith.constant 0.000000e+00 : f32
        %broadcast_in_dim3A_692 = vector.broadcast %broadcast_in_dim3A_691 : f32 to vector<16xf32>
        %broadcast_in_dim3A_693 = arith.constant 0.000000e+00 : f32
        %broadcast_in_dim3A_694 = vector.broadcast %broadcast_in_dim3A_693 : f32 to vector<16xf32>
        %scan3A_695 = arith.constant 0 : i32
        %scan3A_696 = arith.constant 25 : i32
        %scan3A_697 = arith.addi %scan3A_695, %scan3A_696 : i32
        %scan3A_698 = arith.constant 1 : i32
        %scan3A_699:4 = scf.for %scan3A_855 = %scan3A_695 to %scan3A_697 step %scan3A_698 iter_args(%scan3A_856 = %broadcast_in_dim3A_688, %scan3A_857 = %broadcast_in_dim3A_690, %scan3A_858 = %broadcast_in_dim3A_692, %scan3A_859 = %broadcast_in_dim3A_694) -> (vector<16xf32>, vector<16xf32>, vector<16xf32>, vector<16xf32>)  : i32 {
          %mul3A_860 = arith.constant 2 : i32
          %mul3A_861 = arith.muli %mul3A_860, %scan3A_855 : i32
          %add3A_862 = arith.constant 0 : i32
          %add3A_863 = arith.addi %mul3A_861, %add3A_862 : i32
          %get3A = arith.constant 6 : i32
          %get3A_864 = arith.index_cast %get3A : i32 to index
          %get3A_865 = arith.index_cast %add3A_863 : i32 to index
          %get3A_866 = arith.constant 0 : index
          %get3A_867 = tpu.vector_load %arg6[%get3A_864, %get3A_865, %get3A_866] {strides = array<i32>} : memref<8x56x64xf32, #tpu.memory_space<vmem>>, vector<1x1x16xf32>,
          %get3A_868 = vector.shape_cast %get3A_867 : vector<1x1x16xf32> to vector<16xf32>
          %add3A_869 = arith.addf %scan3A_856, %get3A_868 : vector<16xf32>
          %get3A_870 = arith.constant 6 : i32
          %get3A_871 = arith.index_cast %get3A_870 : i32 to index
          %get3A_872 = arith.index_cast %add3A_863 : i32 to index
          %get3A_873 = arith.constant 16 : index
          %get3A_874 = tpu.vector_load %arg6[%get3A_871, %get3A_872, %get3A_873] {strides = array<i32>} : memref<8x56x64xf32, #tpu.memory_space<vmem>>, vector<1x1x16xf32>,
          %get3A_875 = vector.shape_cast %get3A_874 : vector<1x1x16xf32> to vector<16xf32>
          %add3A_876 = arith.addf %scan3A_857, %get3A_875 : vector<16xf32>
          %get3A_877 = arith.constant 6 : i32
          %get3A_878 = arith.index_cast %get3A_877 : i32 to index
          %get3A_879 = arith.index_cast %add3A_863 : i32 to index
          %get3A_880 = arith.constant 32 : index
          %get3A_881 = tpu.vector_load %arg6[%get3A_878, %get3A_879, %get3A_880] {strides = array<i32>} : memref<8x56x64xf32, #tpu.memory_space<vmem>>, vector<1x1x16xf32>,
          %get3A_882 = vector.shape_cast %get3A_881 : vector<1x1x16xf32> to vector<16xf32>
          %add3A_883 = arith.addf %scan3A_858, %get3A_882 : vector<16xf32>
          %get3A_884 = arith.constant 6 : i32
          %get3A_885 = arith.index_cast %get3A_884 : i32 to index
          %get3A_886 = arith.index_cast %add3A_863 : i32 to index
          %get3A_887 = arith.constant 48 : index
          %get3A_888 = tpu.vector_load %arg6[%get3A_885, %get3A_886, %get3A_887] {strides = array<i32>} : memref<8x56x64xf32, #tpu.memory_space<vmem>>, vector<1x1x16xf32>,
          %get3A_889 = vector.shape_cast %get3A_888 : vector<1x1x16xf32> to vector<16xf32>
          %add3A_890 = arith.addf %scan3A_859, %get3A_889 : vector<16xf32>
          %mul3A_891 = arith.constant 2 : i32
          %mul3A_892 = arith.muli %mul3A_891, %scan3A_855 : i32
          %add3A_893 = arith.constant 1 : i32
          %add3A_894 = arith.addi %mul3A_892, %add3A_893 : i32
          %get3A_895 = arith.constant 6 : i32
          %get3A_896 = arith.index_cast %get3A_895 : i32 to index
          %get3A_897 = arith.index_cast %add3A_894 : i32 to index
          %get3A_898 = arith.constant 0 : index
          %get3A_899 = tpu.vector_load %arg6[%get3A_896, %get3A_897, %get3A_898] {strides = array<i32>} : memref<8x56x64xf32, #tpu.memory_space<vmem>>, vector<1x1x16xf32>,
          %get3A_900 = vector.shape_cast %get3A_899 : vector<1x1x16xf32> to vector<16xf32>
          %add3A_901 = arith.addf %add3A_869, %get3A_900 : vector<16xf32>
          %get3A_902 = arith.constant 6 : i32
          %get3A_903 = arith.index_cast %get3A_902 : i32 to index
          %get3A_904 = arith.index_cast %add3A_894 : i32 to index
          %get3A_905 = arith.constant 16 : index
          %get3A_906 = tpu.vector_load %arg6[%get3A_903, %get3A_904, %get3A_905] {strides = array<i32>} : memref<8x56x64xf32, #tpu.memory_space<vmem>>, vector<1x1x16xf32>,
          %get3A_907 = vector.shape_cast %get3A_906 : vector<1x1x16xf32> to vector<16xf32>
          %add3A_908 = arith.addf %add3A_876, %get3A_907 : vector<16xf32>
          %get3A_909 = arith.constant 6 : i32
          %get3A_910 = arith.index_cast %get3A_909 : i32 to index
          %get3A_911 = arith.index_cast %add3A_894 : i32 to index
          %get3A_912 = arith.constant 32 : index
          %get3A_913 = tpu.vector_load %arg6[%get3A_910, %get3A_911, %get3A_912] {strides = array<i32>} : memref<8x56x64xf32, #tpu.memory_space<vmem>>, vector<1x1x16xf32>,
          %get3A_914 = vector.shape_cast %get3A_913 : vector<1x1x16xf32> to vector<16xf32>
          %add3A_915 = arith.addf %add3A_883, %get3A_914 : vector<16xf32>
          %get3A_916 = arith.constant 6 : i32
          %get3A_917 = arith.index_cast %get3A_916 : i32 to index
          %get3A_918 = arith.index_cast %add3A_894 : i32 to index
          %get3A_919 = arith.constant 48 : index
          %get3A_920 = tpu.vector_load %arg6[%get3A_917, %get3A_918, %get3A_919] {strides = array<i32>} : memref<8x56x64xf32, #tpu.memory_space<vmem>>, vector<1x1x16xf32>,
          %get3A_921 = vector.shape_cast %get3A_920 : vector<1x1x16xf32> to vector<16xf32>
          %add3A_922 = arith.addf %add3A_890, %get3A_921 : vector<16xf32>
          scf.yield %add3A_901, %add3A_908, %add3A_915, %add3A_922 : vector<16xf32>, vector<16xf32>, vector<16xf32>, vector<16xf32>
        }
        %scan3A_700 = arith.constant 25 : i32
        %broadcast_in_dim3A_701 = arith.constant 0.000000e+00 : f32
        %broadcast_in_dim3A_702 = vector.broadcast %broadcast_in_dim3A_701 : f32 to vector<16xf32>
        %swap3A_703 = arith.index_cast %add3A_675 : i32 to index
        %swap3A_704 = arith.constant 0 : index
        %swap3A_705 = tpu.vector_load %arg7[%swap3A_703, %swap3A_704] {strides = array<i32>} : memref<512x128xf32, #tpu.memory_space<vmem>>, vector<1x16xf32>,
        %swap3A_706 = vector.shape_cast %swap3A_705 : vector<1x16xf32> to vector<16xf32>
        %swap3A_707 = vector.shape_cast %scan3A_699#0 : vector<16xf32> to vector<1x16xf32>
        tpu.vector_store %arg7[%swap3A_703, %swap3A_704], %swap3A_707 {strides = array<i32>} : memref<512x128xf32, #tpu.memory_space<vmem>>, vector<1x16xf32>,
        %swap3A_708 = arith.index_cast %add3A_675 : i32 to index
        %swap3A_709 = arith.constant 16 : index
        %swap3A_710 = tpu.vector_load %arg7[%swap3A_708, %swap3A_709] {strides = array<i32>} : memref<512x128xf32, #tpu.memory_space<vmem>>, vector<1x16xf32>,
        %swap3A_711 = vector.shape_cast %swap3A_710 : vector<1x16xf32> to vector<16xf32>
        %swap3A_712 = vector.shape_cast %scan3A_699#1 : vector<16xf32> to vector<1x16xf32>
        tpu.vector_store %arg7[%swap3A_708, %swap3A_709], %swap3A_712 {strides = array<i32>} : memref<512x128xf32, #tpu.memory_space<vmem>>, vector<1x16xf32>,
        %swap3A_713 = arith.index_cast %add3A_675 : i32 to index
        %swap3A_714 = arith.constant 32 : index
        %swap3A_715 = tpu.vector_load %arg7[%swap3A_713, %swap3A_714] {strides = array<i32>} : memref<512x128xf32, #tpu.memory_space<vmem>>, vector<1x16xf32>,
        %swap3A_716 = vector.shape_cast %swap3A_715 : vector<1x16xf32> to vector<16xf32>
        %swap3A_717 = vector.shape_cast %scan3A_699#2 : vector<16xf32> to vector<1x16xf32>
        tpu.vector_store %arg7[%swap3A_713, %swap3A_714], %swap3A_717 {strides = array<i32>} : memref<512x128xf32, #tpu.memory_space<vmem>>, vector<1x16xf32>,
        %swap3A_718 = arith.index_cast %add3A_675 : i32 to index
        %swap3A_719 = arith.constant 48 : index
        %swap3A_720 = tpu.vector_load %arg7[%swap3A_718, %swap3A_719] {strides = array<i32>} : memref<512x128xf32, #tpu.memory_space<vmem>>, vector<1x16xf32>,
        %swap3A_721 = vector.shape_cast %swap3A_720 : vector<1x16xf32> to vector<16xf32>
        %swap3A_722 = vector.shape_cast %scan3A_699#3 : vector<16xf32> to vector<1x16xf32>
        tpu.vector_store %arg7[%swap3A_718, %swap3A_719], %swap3A_722 {strides = array<i32>} : memref<512x128xf32, #tpu.memory_space<vmem>>, vector<1x16xf32>,
        %swap3A_723 = arith.index_cast %add3A_675 : i32 to index
        %swap3A_724 = arith.constant 64 : index
        %swap3A_725 = tpu.vector_load %arg7[%swap3A_723, %swap3A_724] {strides = array<i32>} : memref<512x128xf32, #tpu.memory_space<vmem>>, vector<1x16xf32>,
        %swap3A_726 = vector.shape_cast %swap3A_725 : vector<1x16xf32> to vector<16xf32>
        %swap3A_727 = vector.shape_cast %broadcast_in_dim3A_702 : vector<16xf32> to vector<1x16xf32>
        tpu.vector_store %arg7[%swap3A_723, %swap3A_724], %swap3A_727 {strides = array<i32>} : memref<512x128xf32, #tpu.memory_space<vmem>>, vector<1x16xf32>,
        %swap3A_728 = arith.index_cast %add3A_675 : i32 to index
        %swap3A_729 = arith.constant 80 : index
        %swap3A_730 = tpu.vector_load %arg7[%swap3A_728, %swap3A_729] {strides = array<i32>} : memref<512x128xf32, #tpu.memory_space<vmem>>, vector<1x16xf32>,
        %swap3A_731 = vector.shape_cast %swap3A_730 : vector<1x16xf32> to vector<16xf32>
        %swap3A_732 = vector.shape_cast %broadcast_in_dim3A_702 : vector<16xf32> to vector<1x16xf32>
        tpu.vector_store %arg7[%swap3A_728, %swap3A_729], %swap3A_732 {strides = array<i32>} : memref<512x128xf32, #tpu.memory_space<vmem>>, vector<1x16xf32>,
        %swap3A_733 = arith.index_cast %add3A_675 : i32 to index
        %swap3A_734 = arith.constant 96 : index
        %swap3A_735 = tpu.vector_load %arg7[%swap3A_733, %swap3A_734] {strides = array<i32>} : memref<512x128xf32, #tpu.memory_space<vmem>>, vector<1x16xf32>,
        %swap3A_736 = vector.shape_cast %swap3A_735 : vector<1x16xf32> to vector<16xf32>
        %swap3A_737 = vector.shape_cast %broadcast_in_dim3A_702 : vector<16xf32> to vector<1x16xf32>
        tpu.vector_store %arg7[%swap3A_733, %swap3A_734], %swap3A_737 {strides = array<i32>} : memref<512x128xf32, #tpu.memory_space<vmem>>, vector<1x16xf32>,
        %swap3A_738 = arith.index_cast %add3A_675 : i32 to index
        %swap3A_739 = arith.constant 112 : index
        %swap3A_740 = tpu.vector_load %arg7[%swap3A_738, %swap3A_739] {strides = array<i32>} : memref<512x128xf32, #tpu.memory_space<vmem>>, vector<1x16xf32>,
        %swap3A_741 = vector.shape_cast %swap3A_740 : vector<1x16xf32> to vector<16xf32>
        %swap3A_742 = vector.shape_cast %broadcast_in_dim3A_702 : vector<16xf32> to vector<1x16xf32>
        tpu.vector_store %arg7[%swap3A_738, %swap3A_739], %swap3A_742 {strides = array<i32>} : memref<512x128xf32, #tpu.memory_space<vmem>>, vector<1x16xf32>,
        %add3A_743 = arith.constant 8 : i32
        %add3A_744 = arith.addi %add3A_672, %add3A_743 : i32
        %sub3A_745 = arith.constant 1 : i32
        %sub3A_746 = arith.subi %add3A_744, %sub3A_745 : i32
        %lt3A_747 = arith.constant 64 : i32
        %lt3A_748 = arith.cmpi slt, %sub3A_746, %lt3A_747 : i32
        %convert_element_type3A_749 = arith.extui %lt3A_748 : i1 to i32
        %cond3A_750 = arith.constant 0 : i32
        %cond3A_751 = arith.cmpi ne, %convert_element_type3A_749, %cond3A_750 : i32
        scf.if %cond3A_751 {
          %dma_start3A_855 = arith.constant 5 : i32
          %dma_start3A_856 = arith.constant 0 : i32
          %dma_start3A_857 = arith.constant 0 : i32
          %dma_start3A_858 = tpu.memref_slice %arg6[%dma_start3A_855, %dma_start3A_856, %dma_start3A_857] : memref<8x56x64xf32, #tpu.memory_space<vmem>> -> memref<1x56x64xf32, #tpu.memory_space<vmem>>
          %dma_start3A_859 = tpu.memref_squeeze %dma_start3A_858 : memref<1x56x64xf32, #tpu.memory_space<vmem>> -> memref<56x64xf32, #tpu.memory_space<vmem>>
          %dma_start3A_860 = arith.constant 0 : i32
          %dma_start3A_861 = tpu.memref_slice %arg5[%rem3A_101, %sub3A_746, %dma_start3A_860] : memref<2x64x128xi32, #tpu.memory_space<vmem>> -> memref<1x1x56xi32, #tpu.memory_space<vmem>>
          %dma_start3A_862 = tpu.memref_squeeze %dma_start3A_861 : memref<1x1x56xi32, #tpu.memory_space<vmem>> -> memref<56xi32, #tpu.memory_space<vmem>>
          %dma_start3A_863 = arith.constant 0 : i32
          %dma_start3A_864 = arith.constant 0 : i32
          %dma_start3A_865 = tpu.memref_slice %arg3[%dma_start3A_863, %dma_start3A_864] : memref<1000000x64xf32, #tpu.memory_space<hbm>> -> memref<1000000x64xf32, #tpu.memory_space<hbm>>
          tpu.enqueue_indirect_dma source(%dma_start3A_865 : memref<1000000x64xf32, #tpu.memory_space<hbm>>) target(%dma_start3A_859 : memref<56x64xf32, #tpu.memory_space<vmem>>) offsets(%dma_start3A_862 : memref<56xi32, #tpu.memory_space<vmem>>) semaphore(%arg13 : memref<!tpu.dma_semaphore, #tpu.memory_space<semaphore_mem>>)
        } else {
        }
        %ge3A_752 = arith.constant 64 : i32
        %ge3A_753 = arith.cmpi sge, %sub3A_746, %ge3A_752 : i32
        %add3A_754 = arith.constant 1 : i32
        %add3A_755 = arith.addi %scan3A_100, %add3A_754 : i32
        %lt3A_756 = arith.constant 8 : i32
        %lt3A_757 = arith.cmpi slt, %add3A_755, %lt3A_756 : i32
        %and3A_758 = arith.andi %ge3A_753, %lt3A_757 : i1
        %convert_element_type3A_759 = arith.extui %and3A_758 : i1 to i32
        %cond3A_760 = arith.constant 0 : i32
        %cond3A_761 = arith.cmpi ne, %convert_element_type3A_759, %cond3A_760 : i32
        scf.if %cond3A_761 {
          %sub3A_855 = arith.constant 64 : i32
          %sub3A_856 = arith.subi %sub3A_746, %sub3A_855 : i32
          %dma_start3A_857 = arith.constant 5 : i32
          %dma_start3A_858 = arith.constant 0 : i32
          %dma_start3A_859 = arith.constant 0 : i32
          %dma_start3A_860 = tpu.memref_slice %arg6[%dma_start3A_857, %dma_start3A_858, %dma_start3A_859] : memref<8x56x64xf32, #tpu.memory_space<vmem>> -> memref<1x56x64xf32, #tpu.memory_space<vmem>>
          %dma_start3A_861 = tpu.memref_squeeze %dma_start3A_860 : memref<1x56x64xf32, #tpu.memory_space<vmem>> -> memref<56x64xf32, #tpu.memory_space<vmem>>
          %dma_start3A_862 = arith.constant 0 : i32
          %dma_start3A_863 = tpu.memref_slice %arg5[%rem3A_105, %sub3A_856, %dma_start3A_862] : memref<2x64x128xi32, #tpu.memory_space<vmem>> -> memref<1x1x56xi32, #tpu.memory_space<vmem>>
          %dma_start3A_864 = tpu.memref_squeeze %dma_start3A_863 : memref<1x1x56xi32, #tpu.memory_space<vmem>> -> memref<56xi32, #tpu.memory_space<vmem>>
          %dma_start3A_865 = arith.constant 0 : i32
          %dma_start3A_866 = arith.constant 0 : i32
          %dma_start3A_867 = tpu.memref_slice %arg3[%dma_start3A_865, %dma_start3A_866] : memref<1000000x64xf32, #tpu.memory_space<hbm>> -> memref<1000000x64xf32, #tpu.memory_space<hbm>>
          tpu.enqueue_indirect_dma source(%dma_start3A_867 : memref<1000000x64xf32, #tpu.memory_space<hbm>>) target(%dma_start3A_861 : memref<56x64xf32, #tpu.memory_space<vmem>>) offsets(%dma_start3A_864 : memref<56xi32, #tpu.memory_space<vmem>>) semaphore(%arg13 : memref<!tpu.dma_semaphore, #tpu.memory_space<semaphore_mem>>)
        } else {
        }
        %mul3A_762 = arith.constant 8 : i32
        %mul3A_763 = arith.muli %scan3A_116, %mul3A_762 : i32
        %add3A_764 = arith.constant 7 : i32
        %add3A_765 = arith.addi %mul3A_763, %add3A_764 : i32
        %mul3A_766 = arith.constant 64 : i32
        %mul3A_767 = arith.muli %scan3A_100, %mul3A_766 : i32
        %add3A_768 = arith.addi %mul3A_767, %add3A_765 : i32
        %dma_wait3A_769 = arith.constant 7 : i32
        %dma_wait3A_770 = arith.constant 0 : i32
        %dma_wait3A_771 = arith.constant 0 : i32
        %dma_wait3A_772 = tpu.memref_slice %arg6[%dma_wait3A_769, %dma_wait3A_770, %dma_wait3A_771] : memref<8x56x64xf32, #tpu.memory_space<vmem>> -> memref<1x56x64xf32, #tpu.memory_space<vmem>>
        %dma_wait3A_773 = tpu.memref_squeeze %dma_wait3A_772 : memref<1x56x64xf32, #tpu.memory_space<vmem>> -> memref<56x64xf32, #tpu.memory_space<vmem>>
        %dma_wait3A_774 = arith.constant 0 : i32
        %dma_wait3A_775 = tpu.memref_slice %arg5[%rem3A_101, %add3A_765, %dma_wait3A_774] : memref<2x64x128xi32, #tpu.memory_space<vmem>> -> memref<1x1x56xi32, #tpu.memory_space<vmem>>
        %dma_wait3A_776 = tpu.memref_squeeze %dma_wait3A_775 : memref<1x1x56xi32, #tpu.memory_space<vmem>> -> memref<56xi32, #tpu.memory_space<vmem>>
        %dma_wait3A_777 = arith.constant 0 : i32
        %dma_wait3A_778 = arith.constant 0 : i32
        %dma_wait3A_779 = tpu.memref_slice %arg3[%dma_wait3A_777, %dma_wait3A_778] : memref<1000000x64xf32, #tpu.memory_space<hbm>> -> memref<1000000x64xf32, #tpu.memory_space<hbm>>
        tpu.wait_indirect_dma semaphore(%arg15 : memref<!tpu.dma_semaphore, #tpu.memory_space<semaphore_mem>>) src(%dma_wait3A_779 : memref<1000000x64xf32, #tpu.memory_space<hbm>>) dst(%dma_wait3A_773 : memref<56x64xf32, #tpu.memory_space<vmem>>)
        %broadcast_in_dim3A_780 = arith.constant 0.000000e+00 : f32
        %broadcast_in_dim3A_781 = vector.broadcast %broadcast_in_dim3A_780 : f32 to vector<16xf32>
        %broadcast_in_dim3A_782 = arith.constant 0.000000e+00 : f32
        %broadcast_in_dim3A_783 = vector.broadcast %broadcast_in_dim3A_782 : f32 to vector<16xf32>
        %broadcast_in_dim3A_784 = arith.constant 0.000000e+00 : f32
        %broadcast_in_dim3A_785 = vector.broadcast %broadcast_in_dim3A_784 : f32 to vector<16xf32>
        %broadcast_in_dim3A_786 = arith.constant 0.000000e+00 : f32
        %broadcast_in_dim3A_787 = vector.broadcast %broadcast_in_dim3A_786 : f32 to vector<16xf32>
        %scan3A_788 = arith.constant 0 : i32
        %scan3A_789 = arith.constant 25 : i32
        %scan3A_790 = arith.addi %scan3A_788, %scan3A_789 : i32
        %scan3A_791 = arith.constant 1 : i32
        %scan3A_792:4 = scf.for %scan3A_855 = %scan3A_788 to %scan3A_790 step %scan3A_791 iter_args(%scan3A_856 = %broadcast_in_dim3A_781, %scan3A_857 = %broadcast_in_dim3A_783, %scan3A_858 = %broadcast_in_dim3A_785, %scan3A_859 = %broadcast_in_dim3A_787) -> (vector<16xf32>, vector<16xf32>, vector<16xf32>, vector<16xf32>)  : i32 {
          %mul3A_860 = arith.constant 2 : i32
          %mul3A_861 = arith.muli %mul3A_860, %scan3A_855 : i32
          %add3A_862 = arith.constant 0 : i32
          %add3A_863 = arith.addi %mul3A_861, %add3A_862 : i32
          %get3A = arith.constant 7 : i32
          %get3A_864 = arith.index_cast %get3A : i32 to index
          %get3A_865 = arith.index_cast %add3A_863 : i32 to index
          %get3A_866 = arith.constant 0 : index
          %get3A_867 = tpu.vector_load %arg6[%get3A_864, %get3A_865, %get3A_866] {strides = array<i32>} : memref<8x56x64xf32, #tpu.memory_space<vmem>>, vector<1x1x16xf32>,
          %get3A_868 = vector.shape_cast %get3A_867 : vector<1x1x16xf32> to vector<16xf32>
          %add3A_869 = arith.addf %scan3A_856, %get3A_868 : vector<16xf32>
          %get3A_870 = arith.constant 7 : i32
          %get3A_871 = arith.index_cast %get3A_870 : i32 to index
          %get3A_872 = arith.index_cast %add3A_863 : i32 to index
          %get3A_873 = arith.constant 16 : index
          %get3A_874 = tpu.vector_load %arg6[%get3A_871, %get3A_872, %get3A_873] {strides = array<i32>} : memref<8x56x64xf32, #tpu.memory_space<vmem>>, vector<1x1x16xf32>,
          %get3A_875 = vector.shape_cast %get3A_874 : vector<1x1x16xf32> to vector<16xf32>
          %add3A_876 = arith.addf %scan3A_857, %get3A_875 : vector<16xf32>
          %get3A_877 = arith.constant 7 : i32
          %get3A_878 = arith.index_cast %get3A_877 : i32 to index
          %get3A_879 = arith.index_cast %add3A_863 : i32 to index
          %get3A_880 = arith.constant 32 : index
          %get3A_881 = tpu.vector_load %arg6[%get3A_878, %get3A_879, %get3A_880] {strides = array<i32>} : memref<8x56x64xf32, #tpu.memory_space<vmem>>, vector<1x1x16xf32>,
          %get3A_882 = vector.shape_cast %get3A_881 : vector<1x1x16xf32> to vector<16xf32>
          %add3A_883 = arith.addf %scan3A_858, %get3A_882 : vector<16xf32>
          %get3A_884 = arith.constant 7 : i32
          %get3A_885 = arith.index_cast %get3A_884 : i32 to index
          %get3A_886 = arith.index_cast %add3A_863 : i32 to index
          %get3A_887 = arith.constant 48 : index
          %get3A_888 = tpu.vector_load %arg6[%get3A_885, %get3A_886, %get3A_887] {strides = array<i32>} : memref<8x56x64xf32, #tpu.memory_space<vmem>>, vector<1x1x16xf32>,
          %get3A_889 = vector.shape_cast %get3A_888 : vector<1x1x16xf32> to vector<16xf32>
          %add3A_890 = arith.addf %scan3A_859, %get3A_889 : vector<16xf32>
          %mul3A_891 = arith.constant 2 : i32
          %mul3A_892 = arith.muli %mul3A_891, %scan3A_855 : i32
          %add3A_893 = arith.constant 1 : i32
          %add3A_894 = arith.addi %mul3A_892, %add3A_893 : i32
          %get3A_895 = arith.constant 7 : i32
          %get3A_896 = arith.index_cast %get3A_895 : i32 to index
          %get3A_897 = arith.index_cast %add3A_894 : i32 to index
          %get3A_898 = arith.constant 0 : index
          %get3A_899 = tpu.vector_load %arg6[%get3A_896, %get3A_897, %get3A_898] {strides = array<i32>} : memref<8x56x64xf32, #tpu.memory_space<vmem>>, vector<1x1x16xf32>,
          %get3A_900 = vector.shape_cast %get3A_899 : vector<1x1x16xf32> to vector<16xf32>
          %add3A_901 = arith.addf %add3A_869, %get3A_900 : vector<16xf32>
          %get3A_902 = arith.constant 7 : i32
          %get3A_903 = arith.index_cast %get3A_902 : i32 to index
          %get3A_904 = arith.index_cast %add3A_894 : i32 to index
          %get3A_905 = arith.constant 16 : index
          %get3A_906 = tpu.vector_load %arg6[%get3A_903, %get3A_904, %get3A_905] {strides = array<i32>} : memref<8x56x64xf32, #tpu.memory_space<vmem>>, vector<1x1x16xf32>,
          %get3A_907 = vector.shape_cast %get3A_906 : vector<1x1x16xf32> to vector<16xf32>
          %add3A_908 = arith.addf %add3A_876, %get3A_907 : vector<16xf32>
          %get3A_909 = arith.constant 7 : i32
          %get3A_910 = arith.index_cast %get3A_909 : i32 to index
          %get3A_911 = arith.index_cast %add3A_894 : i32 to index
          %get3A_912 = arith.constant 32 : index
          %get3A_913 = tpu.vector_load %arg6[%get3A_910, %get3A_911, %get3A_912] {strides = array<i32>} : memref<8x56x64xf32, #tpu.memory_space<vmem>>, vector<1x1x16xf32>,
          %get3A_914 = vector.shape_cast %get3A_913 : vector<1x1x16xf32> to vector<16xf32>
          %add3A_915 = arith.addf %add3A_883, %get3A_914 : vector<16xf32>
          %get3A_916 = arith.constant 7 : i32
          %get3A_917 = arith.index_cast %get3A_916 : i32 to index
          %get3A_918 = arith.index_cast %add3A_894 : i32 to index
          %get3A_919 = arith.constant 48 : index
          %get3A_920 = tpu.vector_load %arg6[%get3A_917, %get3A_918, %get3A_919] {strides = array<i32>} : memref<8x56x64xf32, #tpu.memory_space<vmem>>, vector<1x1x16xf32>,
          %get3A_921 = vector.shape_cast %get3A_920 : vector<1x1x16xf32> to vector<16xf32>
          %add3A_922 = arith.addf %add3A_890, %get3A_921 : vector<16xf32>
          scf.yield %add3A_901, %add3A_908, %add3A_915, %add3A_922 : vector<16xf32>, vector<16xf32>, vector<16xf32>, vector<16xf32>
        }
        %scan3A_793 = arith.constant 25 : i32
        %broadcast_in_dim3A_794 = arith.constant 0.000000e+00 : f32
        %broadcast_in_dim3A_795 = vector.broadcast %broadcast_in_dim3A_794 : f32 to vector<16xf32>
        %swap3A_796 = arith.index_cast %add3A_768 : i32 to index
        %swap3A_797 = arith.constant 0 : index
        %swap3A_798 = tpu.vector_load %arg7[%swap3A_796, %swap3A_797] {strides = array<i32>} : memref<512x128xf32, #tpu.memory_space<vmem>>, vector<1x16xf32>,
        %swap3A_799 = vector.shape_cast %swap3A_798 : vector<1x16xf32> to vector<16xf32>
        %swap3A_800 = vector.shape_cast %scan3A_792#0 : vector<16xf32> to vector<1x16xf32>
        tpu.vector_store %arg7[%swap3A_796, %swap3A_797], %swap3A_800 {strides = array<i32>} : memref<512x128xf32, #tpu.memory_space<vmem>>, vector<1x16xf32>,
        %swap3A_801 = arith.index_cast %add3A_768 : i32 to index
        %swap3A_802 = arith.constant 16 : index
        %swap3A_803 = tpu.vector_load %arg7[%swap3A_801, %swap3A_802] {strides = array<i32>} : memref<512x128xf32, #tpu.memory_space<vmem>>, vector<1x16xf32>,
        %swap3A_804 = vector.shape_cast %swap3A_803 : vector<1x16xf32> to vector<16xf32>
        %swap3A_805 = vector.shape_cast %scan3A_792#1 : vector<16xf32> to vector<1x16xf32>
        tpu.vector_store %arg7[%swap3A_801, %swap3A_802], %swap3A_805 {strides = array<i32>} : memref<512x128xf32, #tpu.memory_space<vmem>>, vector<1x16xf32>,
        %swap3A_806 = arith.index_cast %add3A_768 : i32 to index
        %swap3A_807 = arith.constant 32 : index
        %swap3A_808 = tpu.vector_load %arg7[%swap3A_806, %swap3A_807] {strides = array<i32>} : memref<512x128xf32, #tpu.memory_space<vmem>>, vector<1x16xf32>,
        %swap3A_809 = vector.shape_cast %swap3A_808 : vector<1x16xf32> to vector<16xf32>
        %swap3A_810 = vector.shape_cast %scan3A_792#2 : vector<16xf32> to vector<1x16xf32>
        tpu.vector_store %arg7[%swap3A_806, %swap3A_807], %swap3A_810 {strides = array<i32>} : memref<512x128xf32, #tpu.memory_space<vmem>>, vector<1x16xf32>,
        %swap3A_811 = arith.index_cast %add3A_768 : i32 to index
        %swap3A_812 = arith.constant 48 : index
        %swap3A_813 = tpu.vector_load %arg7[%swap3A_811, %swap3A_812] {strides = array<i32>} : memref<512x128xf32, #tpu.memory_space<vmem>>, vector<1x16xf32>,
        %swap3A_814 = vector.shape_cast %swap3A_813 : vector<1x16xf32> to vector<16xf32>
        %swap3A_815 = vector.shape_cast %scan3A_792#3 : vector<16xf32> to vector<1x16xf32>
        tpu.vector_store %arg7[%swap3A_811, %swap3A_812], %swap3A_815 {strides = array<i32>} : memref<512x128xf32, #tpu.memory_space<vmem>>, vector<1x16xf32>,
        %swap3A_816 = arith.index_cast %add3A_768 : i32 to index
        %swap3A_817 = arith.constant 64 : index
        %swap3A_818 = tpu.vector_load %arg7[%swap3A_816, %swap3A_817] {strides = array<i32>} : memref<512x128xf32, #tpu.memory_space<vmem>>, vector<1x16xf32>,
        %swap3A_819 = vector.shape_cast %swap3A_818 : vector<1x16xf32> to vector<16xf32>
        %swap3A_820 = vector.shape_cast %broadcast_in_dim3A_795 : vector<16xf32> to vector<1x16xf32>
        tpu.vector_store %arg7[%swap3A_816, %swap3A_817], %swap3A_820 {strides = array<i32>} : memref<512x128xf32, #tpu.memory_space<vmem>>, vector<1x16xf32>,
        %swap3A_821 = arith.index_cast %add3A_768 : i32 to index
        %swap3A_822 = arith.constant 80 : index
        %swap3A_823 = tpu.vector_load %arg7[%swap3A_821, %swap3A_822] {strides = array<i32>} : memref<512x128xf32, #tpu.memory_space<vmem>>, vector<1x16xf32>,
        %swap3A_824 = vector.shape_cast %swap3A_823 : vector<1x16xf32> to vector<16xf32>
        %swap3A_825 = vector.shape_cast %broadcast_in_dim3A_795 : vector<16xf32> to vector<1x16xf32>
        tpu.vector_store %arg7[%swap3A_821, %swap3A_822], %swap3A_825 {strides = array<i32>} : memref<512x128xf32, #tpu.memory_space<vmem>>, vector<1x16xf32>,
        %swap3A_826 = arith.index_cast %add3A_768 : i32 to index
        %swap3A_827 = arith.constant 96 : index
        %swap3A_828 = tpu.vector_load %arg7[%swap3A_826, %swap3A_827] {strides = array<i32>} : memref<512x128xf32, #tpu.memory_space<vmem>>, vector<1x16xf32>,
        %swap3A_829 = vector.shape_cast %swap3A_828 : vector<1x16xf32> to vector<16xf32>
        %swap3A_830 = vector.shape_cast %broadcast_in_dim3A_795 : vector<16xf32> to vector<1x16xf32>
        tpu.vector_store %arg7[%swap3A_826, %swap3A_827], %swap3A_830 {strides = array<i32>} : memref<512x128xf32, #tpu.memory_space<vmem>>, vector<1x16xf32>,
        %swap3A_831 = arith.index_cast %add3A_768 : i32 to index
        %swap3A_832 = arith.constant 112 : index
        %swap3A_833 = tpu.vector_load %arg7[%swap3A_831, %swap3A_832] {strides = array<i32>} : memref<512x128xf32, #tpu.memory_space<vmem>>, vector<1x16xf32>,
        %swap3A_834 = vector.shape_cast %swap3A_833 : vector<1x16xf32> to vector<16xf32>
        %swap3A_835 = vector.shape_cast %broadcast_in_dim3A_795 : vector<16xf32> to vector<1x16xf32>
        tpu.vector_store %arg7[%swap3A_831, %swap3A_832], %swap3A_835 {strides = array<i32>} : memref<512x128xf32, #tpu.memory_space<vmem>>, vector<1x16xf32>,
        %add3A_836 = arith.constant 8 : i32
        %add3A_837 = arith.addi %add3A_765, %add3A_836 : i32
        %sub3A_838 = arith.constant 1 : i32
        %sub3A_839 = arith.subi %add3A_837, %sub3A_838 : i32
        %lt3A_840 = arith.constant 64 : i32
        %lt3A_841 = arith.cmpi slt, %sub3A_839, %lt3A_840 : i32
        %convert_element_type3A_842 = arith.extui %lt3A_841 : i1 to i32
        %cond3A_843 = arith.constant 0 : i32
        %cond3A_844 = arith.cmpi ne, %convert_element_type3A_842, %cond3A_843 : i32
        scf.if %cond3A_844 {
          %dma_start3A_855 = arith.constant 6 : i32
          %dma_start3A_856 = arith.constant 0 : i32
          %dma_start3A_857 = arith.constant 0 : i32
          %dma_start3A_858 = tpu.memref_slice %arg6[%dma_start3A_855, %dma_start3A_856, %dma_start3A_857] : memref<8x56x64xf32, #tpu.memory_space<vmem>> -> memref<1x56x64xf32, #tpu.memory_space<vmem>>
          %dma_start3A_859 = tpu.memref_squeeze %dma_start3A_858 : memref<1x56x64xf32, #tpu.memory_space<vmem>> -> memref<56x64xf32, #tpu.memory_space<vmem>>
          %dma_start3A_860 = arith.constant 0 : i32
          %dma_start3A_861 = tpu.memref_slice %arg5[%rem3A_101, %sub3A_839, %dma_start3A_860] : memref<2x64x128xi32, #tpu.memory_space<vmem>> -> memref<1x1x56xi32, #tpu.memory_space<vmem>>
          %dma_start3A_862 = tpu.memref_squeeze %dma_start3A_861 : memref<1x1x56xi32, #tpu.memory_space<vmem>> -> memref<56xi32, #tpu.memory_space<vmem>>
          %dma_start3A_863 = arith.constant 0 : i32
          %dma_start3A_864 = arith.constant 0 : i32
          %dma_start3A_865 = tpu.memref_slice %arg3[%dma_start3A_863, %dma_start3A_864] : memref<1000000x64xf32, #tpu.memory_space<hbm>> -> memref<1000000x64xf32, #tpu.memory_space<hbm>>
          tpu.enqueue_indirect_dma source(%dma_start3A_865 : memref<1000000x64xf32, #tpu.memory_space<hbm>>) target(%dma_start3A_859 : memref<56x64xf32, #tpu.memory_space<vmem>>) offsets(%dma_start3A_862 : memref<56xi32, #tpu.memory_space<vmem>>) semaphore(%arg14 : memref<!tpu.dma_semaphore, #tpu.memory_space<semaphore_mem>>)
        } else {
        }
        %ge3A_845 = arith.constant 64 : i32
        %ge3A_846 = arith.cmpi sge, %sub3A_839, %ge3A_845 : i32
        %add3A_847 = arith.constant 1 : i32
        %add3A_848 = arith.addi %scan3A_100, %add3A_847 : i32
        %lt3A_849 = arith.constant 8 : i32
        %lt3A_850 = arith.cmpi slt, %add3A_848, %lt3A_849 : i32
        %and3A_851 = arith.andi %ge3A_846, %lt3A_850 : i1
        %convert_element_type3A_852 = arith.extui %and3A_851 : i1 to i32
        %cond3A_853 = arith.constant 0 : i32
        %cond3A_854 = arith.cmpi ne, %convert_element_type3A_852, %cond3A_853 : i32
        scf.if %cond3A_854 {
          %sub3A_855 = arith.constant 64 : i32
          %sub3A_856 = arith.subi %sub3A_839, %sub3A_855 : i32
          %dma_start3A_857 = arith.constant 6 : i32
          %dma_start3A_858 = arith.constant 0 : i32
          %dma_start3A_859 = arith.constant 0 : i32
          %dma_start3A_860 = tpu.memref_slice %arg6[%dma_start3A_857, %dma_start3A_858, %dma_start3A_859] : memref<8x56x64xf32, #tpu.memory_space<vmem>> -> memref<1x56x64xf32, #tpu.memory_space<vmem>>
          %dma_start3A_861 = tpu.memref_squeeze %dma_start3A_860 : memref<1x56x64xf32, #tpu.memory_space<vmem>> -> memref<56x64xf32, #tpu.memory_space<vmem>>
          %dma_start3A_862 = arith.constant 0 : i32
          %dma_start3A_863 = tpu.memref_slice %arg5[%rem3A_105, %sub3A_856, %dma_start3A_862] : memref<2x64x128xi32, #tpu.memory_space<vmem>> -> memref<1x1x56xi32, #tpu.memory_space<vmem>>
          %dma_start3A_864 = tpu.memref_squeeze %dma_start3A_863 : memref<1x1x56xi32, #tpu.memory_space<vmem>> -> memref<56xi32, #tpu.memory_space<vmem>>
          %dma_start3A_865 = arith.constant 0 : i32
          %dma_start3A_866 = arith.constant 0 : i32
          %dma_start3A_867 = tpu.memref_slice %arg3[%dma_start3A_865, %dma_start3A_866] : memref<1000000x64xf32, #tpu.memory_space<hbm>> -> memref<1000000x64xf32, #tpu.memory_space<hbm>>
          tpu.enqueue_indirect_dma source(%dma_start3A_867 : memref<1000000x64xf32, #tpu.memory_space<hbm>>) target(%dma_start3A_861 : memref<56x64xf32, #tpu.memory_space<vmem>>) offsets(%dma_start3A_864 : memref<56xi32, #tpu.memory_space<vmem>>) semaphore(%arg14 : memref<!tpu.dma_semaphore, #tpu.memory_space<semaphore_mem>>)
        } else {
        }
      }
      %scan3A_115 = arith.constant 8 : i32
    }
    %scan3A_99 = arith.constant 8 : i32
    "tpu.region"() ({
      %run_scoped3A_100 = tpu.sem_alloc : memref<!tpu.dma_semaphore, #tpu.memory_space<semaphore_mem>>
      %dma_start3A_101 = arith.constant 0 : i32
      %dma_start3A_102 = tpu.memref_slice %arg4[%mul3A_2, %dma_start3A_101] : memref<16384x128xf32, #tpu.memory_space<hbm>> -> memref<512x128xf32, #tpu.memory_space<hbm>>
      %dma_start3A_103 = arith.constant 0 : i32
      %dma_start3A_104 = tpu.memref_slice %arg4[%mul3A_2, %dma_start3A_103] : memref<16384x128xf32, #tpu.memory_space<hbm>> -> memref<512x128xf32, #tpu.memory_space<hbm>>
      tpu.enqueue_dma source(%arg7 : memref<512x128xf32, #tpu.memory_space<vmem>>) target(%dma_start3A_104 : memref<512x128xf32, #tpu.memory_space<hbm>>) target_semaphore(%run_scoped3A_100 : memref<!tpu.dma_semaphore, #tpu.memory_space<semaphore_mem>>)
      %dma_wait3A = arith.constant 0 : i32
      %dma_wait3A_105 = tpu.memref_slice %arg4[%mul3A_2, %dma_wait3A] : memref<16384x128xf32, #tpu.memory_space<hbm>> -> memref<512x128xf32, #tpu.memory_space<hbm>>
      %dma_wait3A_106 = arith.constant 0 : i32
      %dma_wait3A_107 = tpu.memref_slice %arg4[%mul3A_2, %dma_wait3A_106] : memref<16384x128xf32, #tpu.memory_space<hbm>> -> memref<512x128xf32, #tpu.memory_space<hbm>>
      tpu.wait_dma2 semaphore(%run_scoped3A_100 : memref<!tpu.dma_semaphore, #tpu.memory_space<semaphore_mem>>) src(%arg7 : memref<512x128xf32, #tpu.memory_space<vmem>>) dst(%dma_wait3A_107 : memref<512x128xf32, #tpu.memory_space<hbm>>)
      tpu.yield
    }) : () -> ()
    return
  }
}

module attributes {stable_mosaic.version = 14 : i64} {
  func.func @body(%arg0: i32, %arg1: memref<2048x128xf32, #tpu.memory_space<vmem>>, %arg2: memref<128x128xf32, #tpu.memory_space<vmem>>, %arg3: memref<1x128xf32, #tpu.memory_space<vmem>>, %arg4: memref<128x200xf32, #tpu.memory_space<vmem>>, %arg5: memref<1x200xf32, #tpu.memory_space<vmem>>, %arg6: memref<2048x200xf32, #tpu.memory_space<vmem>>) attributes {dimension_semantics = [#tpu.dimension_semantics<arbitrary>], iteration_bounds = array<i64: 8>, scalar_prefetch = 0 : i64, scratch_operands = 0 : i64, tpu.core_type = #tpu.core_type<tc>, window_params = [{transform_indices = @transform_0, window_bounds = array<i64: 2048, 128>}, {pipeline_mode = #tpu.pipeline_mode<synchronous>, transform_indices = @transform_1, window_bounds = array<i64: 128, 128>}, {pipeline_mode = #tpu.pipeline_mode<synchronous>, transform_indices = @transform_2, window_bounds = array<i64: 1, 128>}, {pipeline_mode = #tpu.pipeline_mode<synchronous>, transform_indices = @transform_3, window_bounds = array<i64: 128, 200>}, {pipeline_mode = #tpu.pipeline_mode<synchronous>, transform_indices = @transform_4, window_bounds = array<i64: 1, 200>}, {transform_indices = @transform_5, window_bounds = array<i64: 2048, 200>}]} {
    %get3A = arith.constant 0 : index
    %get3A_0 = arith.constant 0 : index
    %get3A_1 = vector.load %arg1[%get3A, %get3A_0] : memref<2048x128xf32, #tpu.memory_space<vmem>>, vector<2048x128xf32>
    %get3A_2 = arith.constant 0 : index
    %get3A_3 = arith.constant 0 : index
    %get3A_4 = vector.load %arg2[%get3A_2, %get3A_3] : memref<128x128xf32, #tpu.memory_space<vmem>>, vector<128x128xf32>
    %dot_general3A = arith.constant dense<0.000000e+00> : vector<2048x128xf32>
    %dot_general3A_5 = tpu.matmul %get3A_1, %get3A_4, %dot_general3A {dimension_numbers = #tpu.dot_dimension_numbers<[1], [0], [0], [1], [0, 0, 1, 1], [], []>, transpose_lhs_hint = false} : vector<2048x128xf32>, vector<128x128xf32>, vector<2048x128xf32> -> vector<2048x128xf32>
    %get3A_6 = arith.constant 0 : index
    %get3A_7 = arith.constant 0 : index
    %get3A_8 = vector.load %arg3[%get3A_6, %get3A_7] : memref<1x128xf32, #tpu.memory_space<vmem>>, vector<1x128xf32>
    %add3A = vector.broadcast %get3A_8 : vector<1x128xf32> to vector<2048x128xf32>
    %add3A_9 = arith.addf %dot_general3A_5, %add3A : vector<2048x128xf32>
    %max3A = arith.constant 0.000000e+00 : f32
    %max3A_10 = vector.broadcast %max3A : f32 to vector<2048x128xf32>
    %max3A_11 = arith.maximumf %add3A_9, %max3A_10 : vector<2048x128xf32>
    %get3A_12 = arith.constant 0 : index
    %get3A_13 = arith.constant 0 : index
    %get3A_14 = vector.load %arg4[%get3A_12, %get3A_13] : memref<128x200xf32, #tpu.memory_space<vmem>>, vector<128x200xf32>
    %dot_general3A_15 = arith.constant dense<0.000000e+00> : vector<2048x200xf32>
    %dot_general3A_16 = tpu.matmul %max3A_11, %get3A_14, %dot_general3A_15 {dimension_numbers = #tpu.dot_dimension_numbers<[1], [0], [0], [1], [0, 0, 1, 1], [], []>, transpose_lhs_hint = false} : vector<2048x128xf32>, vector<128x200xf32>, vector<2048x200xf32> -> vector<2048x200xf32>
    %get3A_17 = arith.constant 0 : index
    %get3A_18 = arith.constant 0 : index
    %get3A_19 = vector.load %arg5[%get3A_17, %get3A_18] : memref<1x200xf32, #tpu.memory_space<vmem>>, vector<1x200xf32>
    %add3A_20 = vector.broadcast %get3A_19 : vector<1x200xf32> to vector<2048x200xf32>
    %add3A_21 = arith.addf %dot_general3A_16, %add3A_20 : vector<2048x200xf32>
    %swap3A = arith.constant 0 : index
    %swap3A_22 = arith.constant 0 : index
    %swap3A_23 = vector.load %arg6[%swap3A, %swap3A_22] : memref<2048x200xf32, #tpu.memory_space<vmem>>, vector<2048x200xf32>
    tpu.vector_store %arg6[%swap3A, %swap3A_22], %add3A_21 {strides = array<i32>} : memref<2048x200xf32, #tpu.memory_space<vmem>>, vector<2048x200xf32>,
    return
  }
  func.func @transform_0(%arg0: i32) -> (i32, i32) {
    %c0_i32 = arith.constant 0 : i32
    %c0_i32_0 = arith.constant 0 : i32
    return %arg0, %c0_i32 : i32, i32
  }
  func.func @transform_1(%arg0: i32) -> (i32, i32) {
    %c0_i32 = arith.constant 0 : i32
    %c0_i32_0 = arith.constant 0 : i32
    %c0_i32_1 = arith.constant 0 : i32
    return %c0_i32, %c0_i32_0 : i32, i32
  }
  func.func @transform_2(%arg0: i32) -> (i32, i32) {
    %c0_i32 = arith.constant 0 : i32
    %c0_i32_0 = arith.constant 0 : i32
    %c0_i32_1 = arith.constant 0 : i32
    return %c0_i32, %c0_i32_0 : i32, i32
  }
  func.func @transform_3(%arg0: i32) -> (i32, i32) {
    %c0_i32 = arith.constant 0 : i32
    %c0_i32_0 = arith.constant 0 : i32
    %c0_i32_1 = arith.constant 0 : i32
    return %c0_i32, %c0_i32_0 : i32, i32
  }
  func.func @transform_4(%arg0: i32) -> (i32, i32) {
    %c0_i32 = arith.constant 0 : i32
    %c0_i32_0 = arith.constant 0 : i32
    %c0_i32_1 = arith.constant 0 : i32
    return %c0_i32, %c0_i32_0 : i32, i32
  }
  func.func @transform_5(%arg0: i32) -> (i32, i32) {
    %c0_i32 = arith.constant 0 : i32
    %c0_i32_0 = arith.constant 0 : i32
    return %arg0, %c0_i32 : i32, i32
  }
}

</mosaic_0001>

<sc_bundles>
// kernel: kernel.4.cloned.1.call-start
scs
__scs_entry_jumppad:
0x0: {  	(pc) =	sbr.rel $0x88, $3  }
0x1: {  	(tag) =	ssettag $0x0;
	lr =	simm.s32 $0x1  }
0x2: {  	[smem:$0x3F9B] =	sst lr;
	_ =	strace $0xD0000000  }
0x3: {  	_ = 	snop  }
0x4: {  	_ = 	snop  }
0x5: {  	_ = 	snop  }
0x6: {  	_ = 	snop  }
0x7: {  	_ = 	snop  }
__scs_overlays_trampoline_lowered:
0x8: {  	[smem:$0x3FAA] =	sst s0  }
0x9: {  	[smem:$0x3FAB] =	sst s1  }
0xa: {  	[smem:$0x3FAC] =	sst s2  }
0xb: {  	[smem:$0x3FAD] =	sst s3  }
0xc: {  	[smem:$0x3FAE] =	sst s4  }
0xd: {  	[smem:$0x3FAF] =	sst s5  }
0xe: {  	[smem:$0x3FB0] =	sst s6  }
0xf: {  	[smem:$0x3FB1] =	sst s7  }
0x10: {  	[smem:$0x3FB2] =	sst s8  }
0x11: {  	[smem:$0x3FB3] =	sst s9;
	s0 =	simm.s32 @!p0 $0x0  }
0x12: {  	s1 =	sld [smem:$0x3F99];
	s0 =	simm.s32 @p0 $0x1  }
0x13: {  	[smem:$0x3FB4] =	sst s0;
	s0 =	simm.s32 @!p1 $0x0  }
0x14: {  	s2 =	sld [smem:$0x3F98];
	s0 =	simm.s32 @p1 $0x1  }
0x15: {  	[smem:$0x3FB5] =	sst s0;
	s0 =	simm.s32 @!p2 $0x0  }
0x16: {  	s3 =	sld [smem:$0x3FDB];
	s0 =	simm.s32 @p2 $0x1  }
0x17: {  	s4 =	simm.s32 $0x1BF5;
	[smem:$0x3FB7] =	sst s0  }
0x18: {  	s0 =	sld [smem:$0x3F9A];
	_ =	swait.ge [sflag:s4], $0x0  }
0x19: {  	s7 =	sld [smem:$0x3F9B]  }
0x1a: {  	s8 =	sadd.s32 $0xFFFFE003, lr  }
0x1b: {  	s9 =	sadd.s32 $0xFFFFFEF7, lr;
	s5 =	simm.s32 $0xFFFFFFFF;
	p2 =	slt.u32 s8, $0xFFFFF086  }
0x1c: {  	p1 =	slt.u32 s9, $0xF7A;
	s5 =	simm.s32 @!p2 $0x0  }
0x1d: {  	s5 =	simm.s32 @p1 $0x1;
	p0 =	seq.s32 s7, s2  }
0x1e: {  	s7 =	smul.u32 @!p0 $0xF7A, s2;
	p2 =	seq.s32 @!p0 s5, $0x0  }
0x1f: {  	s9 =	smul.u32 $0xF7A, s1;
	s8 =	simm.s32 @!p0 $0x1BF5;
	p2 =	por !p2, p0  }
0x20: {  	[sflag:s8] =	ssyncset.s32 @!p0 $0xFFFFF086;
	s6 =	sadd.s32 @!p0 s3, s7;
	s7 =	simm.s32 @!p0 $0x108  }
0x21: {  	s3 =	sadd.s32 s3, s9;
	s6 =	sadd.s32 @!p0 $0x88, s6;
	s7 =	simm.s32 @p2 $0x1082  }
0x22: {  	[simem:s7], [sflag:s8] =	dma.local @!p0 [hbm:s6], $0xF7A  }
0x23: {  	s9 =	sor.u32 $0xD0000000, s2;
	s6 =	simm.s32 $0x108;
	_ =	swait.ge @!p0 [sflag:s8], $0x0  }
0x24: {  	s3 =	sadd.s32 $0x88, s3;
	s6 =	simm.s32 @!p1 $0x1082;
	[sflag:s4] =	ssyncset.s32 $0xFFFFF086  }
0x25: {  	[simem:s6], [sflag:s4] =	dma.local [hbm:s3], $0xF7A  }
0x26: {  	[smem:$0x3F9B] =	sst s1;
	(tag) =	ssettag s2;
	_ =	strace s9  }
0x27: {  	s1 =	sld [smem:$0x3FAB]  }
0x28: {  	s2 =	sld [smem:$0x3FAC]  }
0x29: {  	s4 =	sld [smem:$0x3FAE]  }
0x2a: {  	p0 =	seq.s32 s5, $0x0;
	s5 =	sld [smem:$0x3FAF]  }
0x2b: {  	s6 =	sld [smem:$0x3FB0]  }
0x2c: {  	s7 =	sld [smem:$0x3FB1]  }
0x2d: {  	s3 =	simm.s32 $0x108;
	s8 =	sld [smem:$0x3FB2]  }
0x2e: {  	s3 =	simm.s32 @!p0 $0x1082;
	s9 =	sld [smem:$0x3FB3]  }
0x2f: {  	lr =	sadd.s32 s0, s3;
	s0 =	sld [smem:$0x3FAA]  }
0x30: {  	s3 =	sld [smem:$0x3FAD]  }
0x31: {  	[smem:$0x3FB6] =	sst s10  }
0x32: {  	s10 =	sld [smem:$0x3FB4];
	_ =	sdelay $0x3  }
0x33: {  	p0 =	seq.s32 s10, $0x1;
	s10 =	sld [smem:$0x3FB6];
	_ =	sdelay $0x3  }
0x34: {  	[smem:$0x3FB6] =	sst s10  }
0x35: {  	s10 =	sld [smem:$0x3FB5];
	_ =	sdelay $0x3  }
0x36: {  	p1 =	seq.s32 s10, $0x1;
	s10 =	sld [smem:$0x3FB6];
	_ =	sdelay $0x3  }
0x37: {  	[smem:$0x3FB6] =	sst s10  }
0x38: {  	s10 =	sld [smem:$0x3FB7]  }
0x39: {  	_ = 	snop;
	(pc) =	sbr.ind lr, $3  }
0x3a: {  	_ = 	snop  }
0x3b: {  	_ = 	snop  }
0x3c: {  	p2 =	seq.s32 s10, $0x1;
	s10 =	sld [smem:$0x3FB6]  }
0x3d: {  	_ =	shalt  }
0x3e: {  	_ =	shalt  }
0x3f: {  	_ =	shalt  }
0x40: {  	_ =	shalt  }
0x41: {  	_ =	shalt  }
0x42: {  	_ =	shalt  }
0x43: {  	_ =	shalt  }
0x44: {  	_ =	shalt  }
0x45: {  	_ =	shalt  }
0x46: {  	_ =	shalt  }
0x47: {  	_ =	shalt  }
0x48: {  	_ =	shalt  }
0x49: {  	_ =	shalt  }
0x4a: {  	_ =	shalt  }
0x4b: {  	_ =	shalt  }
0x4c: {  	_ =	shalt  }
0x4d: {  	_ =	shalt  }
0x4e: {  	_ =	shalt  }
0x4f: {  	_ =	shalt  }
0x50: {  	_ =	shalt  }
0x51: {  	_ =	shalt  }
0x52: {  	_ =	shalt  }
0x53: {  	_ =	shalt  }
0x54: {  	_ =	shalt  }
0x55: {  	_ =	shalt  }
0x56: {  	_ =	shalt  }
0x57: {  	_ =	shalt  }
0x58: {  	_ =	shalt  }
0x59: {  	_ =	shalt  }
0x5a: {  	_ =	shalt  }
0x5b: {  	_ =	shalt  }
0x5c: {  	_ =	shalt  }
0x5d: {  	_ =	shalt  }
0x5e: {  	_ =	shalt  }
0x5f: {  	_ =	shalt  }
0x60: {  	_ =	shalt  }
0x61: {  	_ =	shalt  }
0x62: {  	_ =	shalt  }
0x63: {  	_ =	shalt  }
0x64: {  	_ =	shalt  }
0x65: {  	_ =	shalt  }
0x66: {  	_ =	shalt  }
0x67: {  	_ =	shalt  }
0x68: {  	_ =	shalt  }
0x69: {  	_ =	shalt  }
0x6a: {  	_ =	shalt  }
0x6b: {  	_ =	shalt  }
0x6c: {  	_ =	shalt  }
0x6d: {  	_ =	shalt  }
0x6e: {  	_ =	shalt  }
0x6f: {  	_ =	shalt  }
0x70: {  	_ =	shalt  }
0x71: {  	_ =	shalt  }
0x72: {  	_ =	shalt  }
0x73: {  	_ =	shalt  }
0x74: {  	_ =	shalt  }
0x75: {  	_ =	shalt  }
0x76: {  	_ =	shalt  }
0x77: {  	_ =	shalt  }
0x78: {  	_ =	shalt  }
0x79: {  	_ =	shalt  }
0x7a: {  	_ =	shalt  }
0x7b: {  	_ =	shalt  }
0x7c: {  	_ =	shalt  }
0x7d: {  	_ =	shalt  }
0x7e: {  	_ =	shalt  }
0x7f: {  	_ =	shalt  }
0x80: {  	_ =	shalt  }
0x81: {  	_ =	shalt  }
0x82: {  	_ =	shalt  }
0x83: {  	_ =	shalt  }
0x84: {  	_ =	shalt  }
0x85: {  	_ =	shalt  }
0x86: {  	_ =	shalt  }
0x87: {  	_ =	shalt  }
.Lfunc_end0:
.L_simem_size_0:
called_computation_lowered:
.L_overlay_start_0:
0x88: {  	s2 =	sld [smem:$0x3FD9]  }
0x89: {  	s3 =	sld [smem:$0x3FFE];
	_ =	sdelay $0x1  }
0x8a: {  	s1 =	srdreg.scid  }
0x8b: {  	s0 =	sand.u32 $0x1, s1  }
0x8c: {  	s17 =	sshll.u32 s0, $0xA;
	s2 =	sadd.s32 s3, s2  }
0x8d: {  	s2 =	sadd.s32 s2, s17  }
0x8e: {  	[smem:$0x3FC2] =	sst s2  }
0x8f: {  	_ = 	snop  }
0x90: {  	s2 =	sld [smem:$0x3FD0];
	(tm) =	ssettm $0x1  }
0x91: {  	s18 =	sld [smem:$0x3FFB];
	_ =	sdelay $0x3  }
0x92: {  	_ =	strace s18  }
0x93: {  	s3 =	sld [smem:$0x3FFC];
	_ =	sdelay $0x3  }
0x94: {  	_ =	strace s3  }
0x95: {  	s3 =	sld [smem:$0x3FFD];
	_ =	sdelay $0x3  }
0x96: {  	_ =	strace s3  }
0x97: {  	_ =	strace $0x8FFFFFFF  }
0x98: {  	s19 =	sld [smem:$0x3FDB];
	_ =	sdelay $0x1  }
0x99: {  	s4 =	simm.s32 $_scs_section_size  }
0x9a: {  	s5 =	simm.s32 $_size__tile_overlayer_lowered;
	s6 =	simm.s32 $_tile_overlayer_lowered  }
0x9b: {  	s22 =	simm.s32 $0x1BFF;
	s21 =	sshll.u32 s6, $0x1;
	s3 =	sadd.s32 s4, s19  }
0x9c: {  	s7 =	simm.s32 $0x0;
	s20 =	sshll.u32 s5, $0x1;
	s5 =	sadd.s32 s21, s3  }
0x9d: {  	[timem:s7], [sflag:s22] =	dma.local [hbm:s5], s20  }
0x9e: {  	_ =	swait.ge [sflag:s22], s20  }
0x9f: {  	s4 =	ssub.s32 $0x0, s20;
	[sflag:s22] =	ssyncset.done $0x0  }
0xa0: {  	[sflag:s22] =	ssyncadd.s32 s4;
	_ =	sdelay $0x1  }
0xa1: {  	s23 =	simm.s32 $0x1B8B  }
0xa2: {  	_ =	swait.ge [sflag:s23], $0x1  }
0xa3: {  	[sflag:s23] =	ssyncset.done $0x0  }
0xa4: {  	s25 =	simm.s32 $0x1B8E;
	s24 =	sld [smem:$0x3FFE];
	[sflag:s23] =	ssyncadd.s32 $0xFFFFFFFF  }
0xa5: {  	s26 =	simm.s32 $execute0_lowered;
	[smem:$0x3FD2] =	sst s25  }
0xa6: {  	s5 =	sshll.u32 s26, $0x1;
	_ =	strace $0x80000046;
	[dreg:$0x1] =	wrdreg $0xFFFFFFFF  }
0xa7: {  	s28 =	simm.s32 $_size_execute0_lowered;
	s3 =	sadd.s32 s3, s5;
	[dreg:$0x0] =	wrdreg $0x0  }
0xa8: {  	s5 =	sshll.u32 s28, $0x1;
	[dreg:$0x2] =	wrdreg s3  }
0xa9: {  	[dreg:$0x3] =	wrdreg s5  }
0xaa: {  	[dreg:$0x4] =	wrdreg $0xC0  }
0xab: {  	_ =	task [dreg:s7], $0x5FFFF  }
0xac: {  	[dreg:$0x1] =	wrdreg $0xFFFFFFFF  }
0xad: {  	[dreg:$0x0] =	wrdreg $0x60  }
0xae: {  	[dreg:$0x2] =	wrdreg s2  }
0xaf: {  	[dreg:$0x3] =	wrdreg s24  }
0xb0: {  	[dreg:$0x4] =	wrdreg $0x9  }
0xb1: {  	_ =	task.clear_ibuf [dreg:s7], $0x5FFFF;
	_ =	strace $0x90000046  }
0xb2: {  	s29 =	simm.s32 $0x9;
	_ =	strace $0x80000048  }
0xb3: {  	_ =	swait.ge [sflag:s29], $0x1  }
0xb4: {  	[sflag:s29] =	ssyncadd.s32 $0xFFFFFFFF  }
0xb5: {  	_ =	strace $0x90000048  }
0xb6: {  	_ =	sfence  }
0xb7: {  	s30 =	sld [smem:$0x0];
	_ =	sdelay $0x2  }
0xb8: {  	s31 =	sshll.u32 s1, $0xD;
	s1 =	sshrl.u32 s1, $0x2  }
0xb9: {  	s3 =	sand.u32 $0x4000, s31;
	s1 =	sadd.s32 s1, s30  }
0xba: {  	s0 =	sor.u32 s3, s0;
	s1 =	sshll.u32 s1, $0x11  }
0xbb: {  	s0 =	sor.u32 s1, s0  }
0xbc: {  	s0 =	sadd.s32 $0x8F2B, s0  }
0xbd: {  	[sflag:s0] =	ssyncadd.remote.s32 $0x1  }
0xbe: {  	_ =	sfence.sel $0xFFFF  }
0xbf: {  	[dreg:$0x0] =	wrdreg $0xFFFFFFFF;
	(pc) =	sbr.abs _section_cstart, $3  }
0xc0: {  	[dreg:$0x1] =	wrdreg $0xFFFFFFFF  }
0xc1: {  	_ =	task.clear_ibuf [dreg:s7], $0x2FFFF;
	_ =	strace $0x9FFFFFFF  }
0xc2: {  	(tm) =	ssettm $0x7FFFFFFF  }
0xc3: {  	_ =	shalt  }
tec
execute0_lowered:
.L_overlay_start_1:
0x0: {  	(tag) =	ssettag $0x1  }
0x1: {  	s0 =	rddreg [dreg:$0x0]  }
0x2: {  	s1 =	rddreg [dreg:$0x1];
	s2 =	srdreg.scid;
	s6 =	simm.s32 $0x0  }
0x3: {  	s3 =	stileid.u32;
	s8 =	simm.s32 $0x38;
	s9 =	simm.s32 $0x4000  }
0x4: {  	s22 =	simm.s32 $0x1;
	s23 =	simm.s32 $0xA200;
	s24 =	simm.s32 $0x2  }
0x5: {  	s28 =	simm.s32 $0x5;
	s29 =	simm.s32 $0x6;
	s30 =	simm.s32 $0x7  }
0x6: {  	s31 =	simm.s32 $0x8;
	s2 =	sand.u32 $0x1, s2;
	[smem:$0x7FF] =	sst s6  }
0x7: {  	s3 =	sshll.u32 s3, $0xE;
	s4 =	sshll.u32 s2, $0xD;
	s2 =	ssub.s32 $0x2, s2  }
0x8: {  	_ =	strace $0x80000047;
	s4 =	sor.u32 s4, s3;
	s5 =	sshrl.u32 s2, $0x1  }
0x9: {  	s3 =	sadd.s32 $0xF43800, s1;
	s1 =	sadd.s32 s4, s1;
	s2 =	ssub.s32 s2, s5  }
0xa: {  	s4 =	sadd.s32 s0, s4;
	s25 =	sadd.s32 $0x1400, s1;
	s26 =	smax.u32 s2, $0x1  }
0xb: {  	s2 =	simm.s32 $0x9;
	s1 =	simm.s32 $0x0;
	[dreg:$0x3] =	wrdreg s25  }
0xc: {  	v0 =	vimm.f32 $0.0e+00;
	[dreg:$0x4] =	wrdreg s26;
	s25 =	simm.s32 $0x3;
	s26 =	simm.s32 $0x4  }
.LBB2_1:
0xd: {  	[tilespmem:s6], [sflag:$0x9] =	stream.linear.gather [hbm4b:s4+s6], $0x2000, $0x38;
	[tilespmem:$0x1B000] =	vst v63  }
0xe: {  	_ =	swait.ge [sflag:s2], $0x2000  }
0xf: {  	[sflag:s2] =	ssyncset.done $0x0  }
0x10: {  	[sflag:s2] =	ssyncadd.s32 $0xFFFFE000  }
0x11: {  	[tilespmem:s9], [sflag:$0x1] =	stream.indirect.gather [hbm4b:s3+s8], $0x40, s6, s8, $0xb8;
	[tilespmem:$0x1B000] =	vst v63  }
0x12: {  	s0 =	simm.s32 $0x80;
	s11 =	simm.s32 $0x4E00  }
0x13: {  	[tilespmem:s11], [sflag:$0x2] =	stream.indirect.gather [hbm4b:s3+s8], $0x40, s0, s8, $0xb8;
	[tilespmem:$0x1B000] =	vst v63  }
0x14: {  	s12 =	simm.s32 $0x100;
	s13 =	simm.s32 $0x5C00  }
0x15: {  	[tilespmem:s13], [sflag:$0x3] =	stream.indirect.gather [hbm4b:s3+s8], $0x40, s12, s8, $0xb8;
	[tilespmem:$0x1B000] =	vst v63  }
0x16: {  	s14 =	simm.s32 $0x180;
	s15 =	simm.s32 $0x6A00  }
0x17: {  	[tilespmem:s15], [sflag:$0x4] =	stream.indirect.gather [hbm4b:s3+s8], $0x40, s14, s8, $0xb8;
	[tilespmem:$0x1B000] =	vst v63  }
0x18: {  	s16 =	simm.s32 $0x200;
	s17 =	simm.s32 $0x7800  }
0x19: {  	[tilespmem:s17], [sflag:$0x5] =	stream.indirect.gather [hbm4b:s3+s8], $0x40, s16, s8, $0xb8;
	[tilespmem:$0x1B000] =	vst v63  }
0x1a: {  	s18 =	simm.s32 $0x280;
	s19 =	simm.s32 $0x8600  }
0x1b: {  	[tilespmem:s19], [sflag:$0x6] =	stream.indirect.gather [hbm4b:s3+s8], $0x40, s18, s8, $0xb8;
	[tilespmem:$0x1B000] =	vst v63  }
0x1c: {  	s20 =	simm.s32 $0x300;
	s21 =	simm.s32 $0x9400;
	s10 =	simm.s32 $0x0  }
0x1d: {  	[tilespmem:s21], [sflag:$0x7] =	stream.indirect.gather [hbm4b:s3+s8], $0x40, s20, s8, $0xb8;
	[tilespmem:$0x1B000] =	vst v63  }
.LBB2_3:
0x1e: {  	s0 =	smov.u32 s10  }
0x1f: {  	s10 =	sadd.s32 $0x1, s10;
	s20 =	simm.s32 $0x0;
	p0 =	seq.s32 s0, $0x7  }
0x20: {  	s21 =	sshll.u32 s0, $0xD;
	s12 =	sshll.u32 s0, $0x6;
	s2 =	sshll.u32 @!p0 s10, $0xF  }
0x21: {  	s5 =	sshll.u32 @!p0 s10, $0xA;
	s11 =	simm.s32 @!p0 $0x0;
	s2 =	sand.u32 @!p0 $0x8000, s2  }
0x22: {  	s5 =	sadd.s32 @!p0 s5, s4;
	s6 =	sshrl.u32 @!p0 s2, $0x2;
	s2 =	simm.s32 @p0 $0x0  }
0x23: {  	[tilespmem:s6], [sflag:$0x9] =	stream.linear.gather @!p0 [hbm4b:s5+s11], $0x2000, $0x38;
	[tilespmem:$0x1B000] =	vst v63  }
0x24: {  	s13 =	sand.u32 $0x2000, s21;
	s5 =	simm.s32 @!p0 $0x9;
	s11 =	sshrl.u32 s2, $0x2  }
0x25: {  	_ =	swait.ge @!p0 [sflag:s5], $0x2000;
	s14 =	sadd.s32 $0x80, s11;
	s15 =	sadd.s32 $0x100, s11  }
0x26: {  	s16 =	sadd.s32 $0x180, s11;
	s17 =	sadd.s32 $0x200, s11;
	[sflag:s5] =	ssyncset.done @!p0 $0x0  }
0x27: {  	s18 =	sadd.s32 $0x280, s11;
	s19 =	sadd.s32 $0x300, s11;
	[sflag:s5] =	ssyncadd.s32 @!p0 $0xFFFFE000  }
.LBB2_4:
0x28: {  	_ =	swait.ge [sflag:s22], $0xE00  }
0x29: {  	[sflag:s22] =	ssyncset.done $0x0  }
0x2a: {  	s0 =	simm.s32 $0x0;
	[sflag:s22] =	ssyncadd.s32 $0xFFFFF200  }
0x2b: {  	v2 =	vld [tilespmem:s0+$0x4040]  }
0x2c: {  	v1 =	vld [tilespmem:s0+$0x4050]  }
0x2d: {  	v3 =	vld [tilespmem:s0+$0x4000]  }
0x2e: {  	v6 =	vimm.f32 $0.0e+00;
	v4 =	vld [tilespmem:s0+$0x4010]  }
0x2f: {  	s5 =	simm.s32 $0x200;
	v8 =	vimm.f32 $0.0e+00;
	v9 =	vimm.f32 $0.0e+00;
	v7 =	vimm.f32 $0.0e+00;
	v5 =	vld [tilespmem:s0+$0x4020]  }
.LBB2_5:
0x30: {  	p1 =	sne.s32 s5, $0x3000;
	v10 =	vld [tilespmem:s0+$0x4030];
	v11 =	vmov v2  }
0x31: {  	v12 =	vld [tilespmem:s0+$0x4060];
	v13 =	vmov v1  }
0x32: {  	v14 =	vld [tilespmem:s0+$0x4070];
	s0 =	sshra.s32 s5, $0x2  }
.Ltmp0:
0x33: {  	v2 =	vld [tilespmem:s0+$0x4040];
	(pc) =	sbr.rel @p1 .LBB2_5-.Ltmp0, $4  }
0x34: {  	v6 =	vadd.f32 v3, v6;
	v8 =	vadd.f32 v4, v8;
	v1 =	vld [tilespmem:s0+$0x4050]  }
0x35: {  	v9 =	vadd.f32 v5, v9;
	v3 =	vld [tilespmem:s0+$0x4000];
	v7 =	vadd.f32 v10, v7  }
0x36: {  	v6 =	vadd.f32 v11, v6;
	v8 =	vadd.f32 v13, v8;
	v4 =	vld [tilespmem:s0+$0x4010]  }
0x37: {  	s5 =	sadd.s32 $0x200, s5;
	v9 =	vadd.f32 v12, v9;
	v5 =	vld [tilespmem:s0+$0x4020];
	v7 =	vadd.f32 v14, v7  }
0x38: {  	v10 =	vld [tilespmem:s0+$0x4030]  }
0x39: {  	v11 =	vld [tilespmem:s0+$0x4060]  }
0x3a: {  	v12 =	vld [tilespmem:s0+$0x4070];
	s0 =	sshll.u32 s20, $0x3;
	v3 =	vadd.f32 v3, v6  }
0x3b: {  	s2 =	sadd.s32 s12, s0;
	v4 =	vadd.f32 v4, v8  }
0x3c: {  	s2 =	sshll.u32 s2, $0x7;
	v5 =	vadd.f32 v5, v9;
	v2 =	vadd.f32 v2, v3  }
0x3d: {  	s2 =	sand.u32 $0x3FFFFF80, s2;
	v1 =	vadd.f32 v1, v4  }
0x3e: {  	v4 =	vadd.f32 v11, v5;
	[tilespmem:s2+$0xB000] =	vst v2  }
0x3f: {  	[tilespmem:s2+$0xB010] =	vst v1  }
0x40: {  	v1 =	vimm.f32 $0.0e+00;
	[tilespmem:s2+$0xB020] =	vst v4  }
0x41: {  	v3 =	vadd.f32 v10, v7;
	[tilespmem:s2+$0xB040] =	vst v1  }
0x42: {  	s21 =	sshllo.u32 s20, $0x3;
	[tilespmem:s2+$0xB050] =	vst v1  }
0x43: {  	s5 =	sshll.u32 s21, $0x7;
	v2 =	vadd.f32 v12, v3;
	[tilespmem:s2+$0xB060] =	vst v1  }
0x44: {  	s5 =	sand.u32 $0x3FFFFF80, s5;
	[tilespmem:s2+$0xB070] =	vst v1  }
0x45: {  	s7 =	sadd.s32 s5, s13;
	[tilespmem:s2+$0xB030] =	vst v2  }
0x46: {  	[tilespmem:s23], [sflag:$0x8] =	stream.indirect.gather [hbm4b:s3+s8], $0x40, s7, s8, $0xb8;
	[tilespmem:$0x1B000] =	vst v63  }
0x47: {  	_ =	swait.ge [sflag:s24], $0xE00  }
0x48: {  	[sflag:s24] =	ssyncset.done $0x0  }
0x49: {  	s5 =	simm.s32 $0x0;
	[sflag:s24] =	ssyncadd.s32 $0xFFFFF200  }
0x4a: {  	v3 =	vld [tilespmem:s5+$0x4E40]  }
0x4b: {  	v2 =	vld [tilespmem:s5+$0x4E50]  }
0x4c: {  	v4 =	vld [tilespmem:s5+$0x4E00]  }
0x4d: {  	v5 =	vld [tilespmem:s5+$0x4E10]  }
0x4e: {  	s6 =	simm.s32 $0x200;
	v8 =	vimm.f32 $0.0e+00;
	v9 =	vimm.f32 $0.0e+00;
	v7 =	vimm.f32 $0.0e+00;
	v6 =	vld [tilespmem:s5+$0x4E20]  }
.LBB2_7:
0x4f: {  	p1 =	sne.s32 s6, $0x3000;
	v10 =	vld [tilespmem:s5+$0x4E30];
	v11 =	vmov v3  }
0x50: {  	v12 =	vld [tilespmem:s5+$0x4E60];
	v13 =	vmov v2  }
0x51: {  	v14 =	vld [tilespmem:s5+$0x4E70];
	s5 =	sshra.s32 s6, $0x2  }
.Ltmp1:
0x52: {  	v3 =	vld [tilespmem:s5+$0x4E40];
	(pc) =	sbr.rel @p1 .LBB2_7-.Ltmp1, $4  }
0x53: {  	v1 =	vadd.f32 v4, v1;
	v8 =	vadd.f32 v5, v8;
	v2 =	vld [tilespmem:s5+$0x4E50]  }
0x54: {  	v9 =	vadd.f32 v6, v9;
	v4 =	vld [tilespmem:s5+$0x4E00];
	v7 =	vadd.f32 v10, v7  }
0x55: {  	v1 =	vadd.f32 v11, v1;
	v8 =	vadd.f32 v13, v8;
	v5 =	vld [tilespmem:s5+$0x4E10]  }
0x56: {  	s6 =	sadd.s32 $0x200, s6;
	v9 =	vadd.f32 v12, v9;
	v6 =	vld [tilespmem:s5+$0x4E20];
	v7 =	vadd.f32 v14, v7  }
0x57: {  	s0 =	sadd.s32 s0, s12  }
0x58: {  	s0 =	sshll.u32 s0, $0x7  }
0x59: {  	v10 =	vld [tilespmem:s5+$0x4E30];
	s2 =	sadd.s32 $0x80, s0  }
0x5a: {  	v11 =	vld [tilespmem:s5+$0x4E60];
	s2 =	sand.u32 $0x3FFFFF80, s2  }
0x5b: {  	v12 =	vld [tilespmem:s5+$0x4E70];
	v1 =	vadd.f32 v4, v1;
	[tilespmem:s2+$0xB040] =	vst v0  }
0x5c: {  	v61 =	vadd.f32 v5, v8;
	[tilespmem:s2+$0xB050] =	vst v0  }
0x5d: {  	p2 =	seq.s32 s20, $0x7;
	v62 =	vadd.f32 v6, v9;
	v1 =	vadd.f32 v3, v1;
	[tilespmem:s2+$0xB060] =	vst v0  }
.Ltmp2:
0x5e: {  	[tilespmem:s2+$0xB070] =	vst v0;
	v3 =	vadd.f32 v10, v7;
	v2 =	vadd.f32 v2, v61;
	(pc) =	sbr.rel @!p2 .LBB2_9-.Ltmp2, $4  }
0x5f: {  	v63 =	vadd.f32 v11, v62;
	[tilespmem:s2+$0xB000] =	vst v1  }
0x60: {  	v1 =	vadd.f32 v12, v3;
	[tilespmem:s2+$0xB010] =	vst v2  }
0x61: {  	[tilespmem:s2+$0xB020] =	vst v63  }
0x62: {  	[tilespmem:s2+$0xB030] =	vst v1  }
.Ltmp3:
0x63: {  	(pc) =	sbr.rel @p0 .LBB2_12-.Ltmp3, $4  }
.Ltmp4:
0x64: {  	(pc) =	sbr.rel @!p0 .LBB2_11-.Ltmp4, $4  }
0x65: {  	_ = 	snop  }
0x66: {  	_ = 	snop  }
0x67: {  	p1 =	por $0x0, $0x0;
	s2 =	smov.u32 s11  }
0x68: {  	_ = 	snop  }
.LBB2_9:
0x69: {  	s2 =	sshll.u32 s20, $0xA  }
0x6a: {  	s2 =	sand.u32 $0x3FFFFC00, s2  }
0x6b: {  	s2 =	sadd.s32 s2, s13  }
0x6c: {  	s2 =	sadd.s32 $0x400, s2  }
.LBB2_11:
0x6d: {  	[tilespmem:s9], [sflag:$0x1] =	stream.indirect.gather [hbm4b:s3+s8], $0x40, s2, s8, $0xb8;
	[tilespmem:$0x1B000] =	vst v63  }
0x6e: {  	p1 =	por p2, p2  }
.LBB2_12:
0x6f: {  	_ =	swait.ge [sflag:s25], $0xE00  }
0x70: {  	[sflag:s25] =	ssyncset.done $0x0  }
0x71: {  	s5 =	simm.s32 $0x0;
	[sflag:s25] =	ssyncadd.s32 $0xFFFFF200  }
0x72: {  	v2 =	vld [tilespmem:s5+$0x5C40]  }
0x73: {  	v1 =	vld [tilespmem:s5+$0x5C50]  }
0x74: {  	v3 =	vld [tilespmem:s5+$0x5C00]  }
0x75: {  	v6 =	vimm.f32 $0.0e+00;
	v4 =	vld [tilespmem:s5+$0x5C10]  }
0x76: {  	s6 =	simm.s32 $0x200;
	v8 =	vimm.f32 $0.0e+00;
	v9 =	vimm.f32 $0.0e+00;
	v7 =	vimm.f32 $0.0e+00;
	v5 =	vld [tilespmem:s5+$0x5C20]  }
.LBB2_13:
0x77: {  	p2 =	sne.s32 s6, $0x3000;
	v10 =	vld [tilespmem:s5+$0x5C30];
	v11 =	vmov v2  }
0x78: {  	v12 =	vld [tilespmem:s5+$0x5C60];
	v13 =	vmov v1  }
0x79: {  	v14 =	vld [tilespmem:s5+$0x5C70];
	s5 =	sshra.s32 s6, $0x2  }
.Ltmp5:
0x7a: {  	v2 =	vld [tilespmem:s5+$0x5C40];
	(pc) =	sbr.rel @p2 .LBB2_13-.Ltmp5, $4  }
0x7b: {  	v6 =	vadd.f32 v3, v6;
	v8 =	vadd.f32 v4, v8;
	v1 =	vld [tilespmem:s5+$0x5C50]  }
0x7c: {  	v9 =	vadd.f32 v5, v9;
	v3 =	vld [tilespmem:s5+$0x5C00];
	v7 =	vadd.f32 v10, v7  }
0x7d: {  	v6 =	vadd.f32 v11, v6;
	v8 =	vadd.f32 v13, v8;
	v4 =	vld [tilespmem:s5+$0x5C10]  }
0x7e: {  	s6 =	sadd.s32 $0x200, s6;
	v9 =	vadd.f32 v12, v9;
	v5 =	vld [tilespmem:s5+$0x5C20];
	v7 =	vadd.f32 v14, v7  }
0x7f: {  	v10 =	vld [tilespmem:s5+$0x5C30];
	s2 =	sadd.s32 $0x100, s0  }
0x80: {  	v11 =	vld [tilespmem:s5+$0x5C60];
	s2 =	sand.u32 $0x3FFFFF80, s2  }
0x81: {  	v12 =	vld [tilespmem:s5+$0x5C70];
	v3 =	vadd.f32 v3, v6;
	[tilespmem:s2+$0xB040] =	vst v0  }
0x82: {  	[tilespmem:s2+$0xB050] =	vst v0;
	v4 =	vadd.f32 v4, v8  }
0x83: {  	[tilespmem:s2+$0xB060] =	vst v0;
	v5 =	vadd.f32 v5, v9;
	v2 =	vadd.f32 v2, v3  }
0x84: {  	p2 =	seq.s32 s20, $0x7;
	[tilespmem:s2+$0xB070] =	vst v0;
	v3 =	vadd.f32 v10, v7;
	v1 =	vadd.f32 v1, v4  }
0x85: {  	s5 =	sshll.u32 @!p2 s20, $0xA;
	v4 =	vadd.f32 v11, v5;
	[tilespmem:s2+$0xB000] =	vst v2  }
0x86: {  	s5 =	sand.u32 @!p2 $0x3FFFFC00, s5;
	v2 =	vadd.f32 v12, v3;
	[tilespmem:s2+$0xB010] =	vst v1  }
0x87: {  	s5 =	sadd.s32 @!p2 s5, s13;
	[tilespmem:s2+$0xB020] =	vst v4  }
0x88: {  	s6 =	simm.s32 @!p2 $0x38;
	s7 =	simm.s32 @!p2 $0x4E00;
	[tilespmem:s2+$0xB030] =	vst v2;
	s2 =	sadd.s32 @!p2 $0x480, s5  }
0x89: {  	[tilespmem:s7], [sflag:$0x2] =	stream.indirect.gather @!p2 [hbm4b:s3+s6], $0x40, s2, s6, $0xb8;
	[tilespmem:$0x1B000] =	vst v63  }
0x8a: {  	s2 =	simm.s32 @p1 $0x38;
	s6 =	simm.s32 @p1 $0x4E00  }
0x8b: {  	[tilespmem:s6], [sflag:$0x2] =	stream.indirect.gather @p1 [hbm4b:s3+s2], $0x40, s14, s2, $0xb8;
	[tilespmem:$0x1B000] =	vst v63  }
0x8c: {  	_ =	swait.ge [sflag:s26], $0xE00  }
0x8d: {  	[sflag:s26] =	ssyncset.done $0x0  }
0x8e: {  	s6 =	simm.s32 $0x0;
	[sflag:s26] =	ssyncadd.s32 $0xFFFFF200  }
0x8f: {  	v2 =	vld [tilespmem:s6+$0x6A40]  }
0x90: {  	v1 =	vld [tilespmem:s6+$0x6A50]  }
0x91: {  	v3 =	vld [tilespmem:s6+$0x6A00]  }
0x92: {  	v6 =	vimm.f32 $0.0e+00;
	v4 =	vld [tilespmem:s6+$0x6A10]  }
0x93: {  	v8 =	vimm.f32 $0.0e+00;
	v9 =	vimm.f32 $0.0e+00;
	v7 =	vimm.f32 $0.0e+00;
	s2 =	simm.s32 $0x200;
	v5 =	vld [tilespmem:s6+$0x6A20]  }
.LBB2_15:
0x94: {  	p3 =	sne.s32 s2, $0x3000;
	v10 =	vld [tilespmem:s6+$0x6A30];
	v11 =	vmov v2  }
0x95: {  	v12 =	vld [tilespmem:s6+$0x6A60];
	v13 =	vmov v1  }
0x96: {  	v14 =	vld [tilespmem:s6+$0x6A70];
	s6 =	sshra.s32 s2, $0x2  }
.Ltmp6:
0x97: {  	v2 =	vld [tilespmem:s6+$0x6A40];
	(pc) =	sbr.rel @p3 .LBB2_15-.Ltmp6, $4  }
0x98: {  	v6 =	vadd.f32 v3, v6;
	v8 =	vadd.f32 v4, v8;
	v1 =	vld [tilespmem:s6+$0x6A50]  }
0x99: {  	v9 =	vadd.f32 v5, v9;
	v3 =	vld [tilespmem:s6+$0x6A00];
	v7 =	vadd.f32 v10, v7  }
0x9a: {  	v6 =	vadd.f32 v11, v6;
	v8 =	vadd.f32 v13, v8;
	v4 =	vld [tilespmem:s6+$0x6A10]  }
0x9b: {  	s2 =	sadd.s32 $0x200, s2;
	v9 =	vadd.f32 v12, v9;
	v5 =	vld [tilespmem:s6+$0x6A20];
	v7 =	vadd.f32 v14, v7  }
0x9c: {  	v10 =	vld [tilespmem:s6+$0x6A30];
	s2 =	sadd.s32 $0x180, s0  }
0x9d: {  	v11 =	vld [tilespmem:s6+$0x6A60];
	s2 =	sand.u32 $0x3FFFFF80, s2  }
0x9e: {  	v12 =	vld [tilespmem:s6+$0x6A70];
	v3 =	vadd.f32 v3, v6;
	[tilespmem:s2+$0xB040] =	vst v0  }
0x9f: {  	[tilespmem:s2+$0xB050] =	vst v0;
	v4 =	vadd.f32 v4, v8  }
0xa0: {  	[tilespmem:s2+$0xB060] =	vst v0;
	v5 =	vadd.f32 v5, v9;
	v2 =	vadd.f32 v2, v3  }
0xa1: {  	[tilespmem:s2+$0xB070] =	vst v0;
	v3 =	vadd.f32 v10, v7;
	v1 =	vadd.f32 v1, v4  }
0xa2: {  	v4 =	vadd.f32 v11, v5;
	[tilespmem:s2+$0xB000] =	vst v2  }
0xa3: {  	v2 =	vadd.f32 v12, v3;
	[tilespmem:s2+$0xB010] =	vst v1  }
0xa4: {  	[tilespmem:s2+$0xB020] =	vst v4  }
0xa5: {  	s6 =	simm.s32 @!p2 $0x38;
	s7 =	simm.s32 @!p2 $0x5C00;
	[tilespmem:s2+$0xB030] =	vst v2;
	s2 =	sadd.s32 @!p2 $0x500, s5  }
0xa6: {  	[tilespmem:s7], [sflag:$0x3] =	stream.indirect.gather @!p2 [hbm4b:s3+s6], $0x40, s2, s6, $0xb8;
	[tilespmem:$0x1B000] =	vst v63  }
0xa7: {  	s2 =	simm.s32 @p1 $0x38;
	s6 =	simm.s32 @p1 $0x5C00  }
0xa8: {  	[tilespmem:s6], [sflag:$0x3] =	stream.indirect.gather @p1 [hbm4b:s3+s2], $0x40, s15, s2, $0xb8;
	[tilespmem:$0x1B000] =	vst v63  }
0xa9: {  	_ =	swait.ge [sflag:s28], $0xE00  }
0xaa: {  	[sflag:s28] =	ssyncset.done $0x0  }
0xab: {  	s6 =	simm.s32 $0x0;
	[sflag:s28] =	ssyncadd.s32 $0xFFFFF200  }
0xac: {  	v2 =	vld [tilespmem:s6+$0x7840]  }
0xad: {  	v1 =	vld [tilespmem:s6+$0x7850]  }
0xae: {  	v3 =	vld [tilespmem:s6+$0x7800]  }
0xaf: {  	v6 =	vimm.f32 $0.0e+00;
	v4 =	vld [tilespmem:s6+$0x7810]  }
0xb0: {  	v8 =	vimm.f32 $0.0e+00;
	v9 =	vimm.f32 $0.0e+00;
	v7 =	vimm.f32 $0.0e+00;
	s2 =	simm.s32 $0x200;
	v5 =	vld [tilespmem:s6+$0x7820]  }
.LBB2_17:
0xb1: {  	p3 =	sne.s32 s2, $0x3000;
	v10 =	vld [tilespmem:s6+$0x7830];
	v11 =	vmov v2  }
0xb2: {  	v12 =	vld [tilespmem:s6+$0x7860];
	v13 =	vmov v1  }
0xb3: {  	v14 =	vld [tilespmem:s6+$0x7870];
	s6 =	sshra.s32 s2, $0x2  }
.Ltmp7:
0xb4: {  	v2 =	vld [tilespmem:s6+$0x7840];
	(pc) =	sbr.rel @p3 .LBB2_17-.Ltmp7, $4  }
0xb5: {  	v6 =	vadd.f32 v3, v6;
	v8 =	vadd.f32 v4, v8;
	v1 =	vld [tilespmem:s6+$0x7850]  }
0xb6: {  	v9 =	vadd.f32 v5, v9;
	v3 =	vld [tilespmem:s6+$0x7800];
	v7 =	vadd.f32 v10, v7  }
0xb7: {  	v6 =	vadd.f32 v11, v6;
	v8 =	vadd.f32 v13, v8;
	v4 =	vld [tilespmem:s6+$0x7810]  }
0xb8: {  	s2 =	sadd.s32 $0x200, s2;
	v9 =	vadd.f32 v12, v9;
	v5 =	vld [tilespmem:s6+$0x7820];
	v7 =	vadd.f32 v14, v7  }
0xb9: {  	v10 =	vld [tilespmem:s6+$0x7830];
	s2 =	sadd.s32 $0x200, s0  }
0xba: {  	v11 =	vld [tilespmem:s6+$0x7860];
	s2 =	sand.u32 $0x3FFFFF80, s2  }
0xbb: {  	v12 =	vld [tilespmem:s6+$0x7870];
	v3 =	vadd.f32 v3, v6;
	[tilespmem:s2+$0xB040] =	vst v0  }
0xbc: {  	[tilespmem:s2+$0xB050] =	vst v0;
	v4 =	vadd.f32 v4, v8  }
0xbd: {  	[tilespmem:s2+$0xB060] =	vst v0;
	v5 =	vadd.f32 v5, v9;
	v2 =	vadd.f32 v2, v3  }
0xbe: {  	[tilespmem:s2+$0xB070] =	vst v0;
	v3 =	vadd.f32 v10, v7;
	v1 =	vadd.f32 v1, v4  }
0xbf: {  	v4 =	vadd.f32 v11, v5;
	[tilespmem:s2+$0xB000] =	vst v2  }
0xc0: {  	v2 =	vadd.f32 v12, v3;
	[tilespmem:s2+$0xB010] =	vst v1  }
0xc1: {  	[tilespmem:s2+$0xB020] =	vst v4  }
0xc2: {  	s6 =	simm.s32 @!p2 $0x38;
	s7 =	simm.s32 @!p2 $0x6A00;
	[tilespmem:s2+$0xB030] =	vst v2;
	s2 =	sadd.s32 @!p2 $0x580, s5  }
0xc3: {  	[tilespmem:s7], [sflag:$0x4] =	stream.indirect.gather @!p2 [hbm4b:s3+s6], $0x40, s2, s6, $0xb8;
	[tilespmem:$0x1B000] =	vst v63  }
0xc4: {  	s2 =	simm.s32 @p1 $0x38;
	s6 =	simm.s32 @p1 $0x6A00  }
0xc5: {  	[tilespmem:s6], [sflag:$0x4] =	stream.indirect.gather @p1 [hbm4b:s3+s2], $0x40, s16, s2, $0xb8;
	[tilespmem:$0x1B000] =	vst v63  }
0xc6: {  	_ =	swait.ge [sflag:s29], $0xE00  }
0xc7: {  	[sflag:s29] =	ssyncset.done $0x0  }
0xc8: {  	s6 =	simm.s32 $0x0;
	[sflag:s29] =	ssyncadd.s32 $0xFFFFF200  }
0xc9: {  	v2 =	vld [tilespmem:s6+$0x8640]  }
0xca: {  	v1 =	vld [tilespmem:s6+$0x8650]  }
0xcb: {  	v3 =	vld [tilespmem:s6+$0x8600]  }
0xcc: {  	v6 =	vimm.f32 $0.0e+00;
	v4 =	vld [tilespmem:s6+$0x8610]  }
0xcd: {  	v8 =	vimm.f32 $0.0e+00;
	v9 =	vimm.f32 $0.0e+00;
	v7 =	vimm.f32 $0.0e+00;
	s2 =	simm.s32 $0x200;
	v5 =	vld [tilespmem:s6+$0x8620]  }
.LBB2_19:
0xce: {  	p3 =	sne.s32 s2, $0x3000;
	v10 =	vld [tilespmem:s6+$0x8630];
	v11 =	vmov v2  }
0xcf: {  	v12 =	vld [tilespmem:s6+$0x8660];
	v13 =	vmov v1  }
0xd0: {  	v14 =	vld [tilespmem:s6+$0x8670];
	s6 =	sshra.s32 s2, $0x2  }
.Ltmp8:
0xd1: {  	v2 =	vld [tilespmem:s6+$0x8640];
	(pc) =	sbr.rel @p3 .LBB2_19-.Ltmp8, $4  }
0xd2: {  	v6 =	vadd.f32 v3, v6;
	v8 =	vadd.f32 v4, v8;
	v1 =	vld [tilespmem:s6+$0x8650]  }
0xd3: {  	v9 =	vadd.f32 v5, v9;
	v3 =	vld [tilespmem:s6+$0x8600];
	v7 =	vadd.f32 v10, v7  }
0xd4: {  	v6 =	vadd.f32 v11, v6;
	v8 =	vadd.f32 v13, v8;
	v4 =	vld [tilespmem:s6+$0x8610]  }
0xd5: {  	s2 =	sadd.s32 $0x200, s2;
	v9 =	vadd.f32 v12, v9;
	v5 =	vld [tilespmem:s6+$0x8620];
	v7 =	vadd.f32 v14, v7  }
0xd6: {  	v10 =	vld [tilespmem:s6+$0x8630];
	s2 =	sadd.s32 $0x280, s0  }
0xd7: {  	v11 =	vld [tilespmem:s6+$0x8660];
	s2 =	sand.u32 $0x3FFFFF80, s2  }
0xd8: {  	v12 =	vld [tilespmem:s6+$0x8670];
	v3 =	vadd.f32 v3, v6;
	[tilespmem:s2+$0xB040] =	vst v0  }
0xd9: {  	[tilespmem:s2+$0xB050] =	vst v0;
	v4 =	vadd.f32 v4, v8  }
0xda: {  	[tilespmem:s2+$0xB060] =	vst v0;
	v5 =	vadd.f32 v5, v9;
	v2 =	vadd.f32 v2, v3  }
0xdb: {  	[tilespmem:s2+$0xB070] =	vst v0;
	v3 =	vadd.f32 v10, v7;
	v1 =	vadd.f32 v1, v4  }
0xdc: {  	v4 =	vadd.f32 v11, v5;
	[tilespmem:s2+$0xB000] =	vst v2  }
0xdd: {  	v2 =	vadd.f32 v12, v3;
	[tilespmem:s2+$0xB010] =	vst v1  }
0xde: {  	[tilespmem:s2+$0xB020] =	vst v4  }
0xdf: {  	s6 =	simm.s32 @!p2 $0x38;
	s7 =	simm.s32 @!p2 $0x7800;
	[tilespmem:s2+$0xB030] =	vst v2;
	s2 =	sadd.s32 @!p2 $0x600, s5  }
0xe0: {  	[tilespmem:s7], [sflag:$0x5] =	stream.indirect.gather @!p2 [hbm4b:s3+s6], $0x40, s2, s6, $0xb8;
	[tilespmem:$0x1B000] =	vst v63  }
0xe1: {  	s2 =	simm.s32 @p1 $0x38;
	s6 =	simm.s32 @p1 $0x7800  }
0xe2: {  	[tilespmem:s6], [sflag:$0x5] =	stream.indirect.gather @p1 [hbm4b:s3+s2], $0x40, s17, s2, $0xb8;
	[tilespmem:$0x1B000] =	vst v63  }
0xe3: {  	_ =	swait.ge [sflag:s30], $0xE00  }
0xe4: {  	[sflag:s30] =	ssyncset.done $0x0  }
0xe5: {  	s6 =	simm.s32 $0x0;
	[sflag:s30] =	ssyncadd.s32 $0xFFFFF200  }
0xe6: {  	v2 =	vld [tilespmem:s6+$0x9440]  }
0xe7: {  	v1 =	vld [tilespmem:s6+$0x9450]  }
0xe8: {  	v3 =	vld [tilespmem:s6+$0x9400]  }
0xe9: {  	v6 =	vimm.f32 $0.0e+00;
	v4 =	vld [tilespmem:s6+$0x9410]  }
0xea: {  	v8 =	vimm.f32 $0.0e+00;
	v9 =	vimm.f32 $0.0e+00;
	v7 =	vimm.f32 $0.0e+00;
	s2 =	simm.s32 $0x200;
	v5 =	vld [tilespmem:s6+$0x9420]  }
.LBB2_21:
0xeb: {  	p3 =	sne.s32 s2, $0x3000;
	v10 =	vld [tilespmem:s6+$0x9430];
	v11 =	vmov v2  }
0xec: {  	v12 =	vld [tilespmem:s6+$0x9460];
	v13 =	vmov v1  }
0xed: {  	v14 =	vld [tilespmem:s6+$0x9470];
	s6 =	sshra.s32 s2, $0x2  }
.Ltmp9:
0xee: {  	v2 =	vld [tilespmem:s6+$0x9440];
	(pc) =	sbr.rel @p3 .LBB2_21-.Ltmp9, $4  }
0xef: {  	v6 =	vadd.f32 v3, v6;
	v8 =	vadd.f32 v4, v8;
	v1 =	vld [tilespmem:s6+$0x9450]  }
0xf0: {  	v9 =	vadd.f32 v5, v9;
	v3 =	vld [tilespmem:s6+$0x9400];
	v7 =	vadd.f32 v10, v7  }
0xf1: {  	v6 =	vadd.f32 v11, v6;
	v8 =	vadd.f32 v13, v8;
	v4 =	vld [tilespmem:s6+$0x9410]  }
0xf2: {  	s2 =	sadd.s32 $0x200, s2;
	v9 =	vadd.f32 v12, v9;
	v5 =	vld [tilespmem:s6+$0x9420];
	v7 =	vadd.f32 v14, v7  }
0xf3: {  	v10 =	vld [tilespmem:s6+$0x9430];
	s0 =	sadd.s32 $0x300, s0  }
0xf4: {  	v11 =	vld [tilespmem:s6+$0x9460];
	s0 =	sand.u32 $0x3FFFFF80, s0  }
0xf5: {  	v12 =	vld [tilespmem:s6+$0x9470];
	v3 =	vadd.f32 v3, v6;
	[tilespmem:s0+$0xB040] =	vst v0  }
0xf6: {  	[tilespmem:s0+$0xB050] =	vst v0;
	v4 =	vadd.f32 v4, v8  }
0xf7: {  	[tilespmem:s0+$0xB060] =	vst v0;
	v5 =	vadd.f32 v5, v9;
	v2 =	vadd.f32 v2, v3  }
0xf8: {  	[tilespmem:s0+$0xB070] =	vst v0;
	v3 =	vadd.f32 v10, v7;
	v1 =	vadd.f32 v1, v4  }
0xf9: {  	v4 =	vadd.f32 v11, v5;
	[tilespmem:s0+$0xB000] =	vst v2  }
0xfa: {  	v2 =	vadd.f32 v12, v3;
	[tilespmem:s0+$0xB010] =	vst v1  }
0xfb: {  	[tilespmem:s0+$0xB020] =	vst v4  }
0xfc: {  	s2 =	simm.s32 @!p2 $0x38;
	s6 =	simm.s32 @!p2 $0x8600;
	[tilespmem:s0+$0xB030] =	vst v2;
	s0 =	sadd.s32 @!p2 $0x680, s5  }
0xfd: {  	[tilespmem:s6], [sflag:$0x6] =	stream.indirect.gather @!p2 [hbm4b:s3+s2], $0x40, s0, s2, $0xb8;
	[tilespmem:$0x1B000] =	vst v63  }
0xfe: {  	s0 =	simm.s32 @p1 $0x38;
	s2 =	simm.s32 @p1 $0x8600  }
0xff: {  	[tilespmem:s2], [sflag:$0x6] =	stream.indirect.gather @p1 [hbm4b:s3+s0], $0x40, s18, s0, $0xb8;
	[tilespmem:$0x1B000] =	vst v63  }
0x100: {  	_ =	swait.ge [sflag:s31], $0xE00  }
0x101: {  	[sflag:s31] =	ssyncset.done $0x0  }
0x102: {  	s0 =	simm.s32 $0x0;
	[sflag:s31] =	ssyncadd.s32 $0xFFFFF200  }
0x103: {  	v2 =	vld [tilespmem:s0+$0xA240]  }
0x104: {  	v1 =	vld [tilespmem:s0+$0xA250]  }
0x105: {  	v3 =	vld [tilespmem:s0+$0xA200]  }
0x106: {  	v6 =	vimm.f32 $0.0e+00;
	v4 =	vld [tilespmem:s0+$0xA210]  }
0x107: {  	v8 =	vimm.f32 $0.0e+00;
	v9 =	vimm.f32 $0.0e+00;
	v7 =	vimm.f32 $0.0e+00;
	s2 =	simm.s32 $0x200;
	v5 =	vld [tilespmem:s0+$0xA220]  }
.LBB2_23:
0x108: {  	p3 =	sne.s32 s2, $0x3000;
	v10 =	vld [tilespmem:s0+$0xA230];
	v11 =	vmov v2  }
0x109: {  	v12 =	vld [tilespmem:s0+$0xA260];
	v13 =	vmov v1  }
0x10a: {  	v14 =	vld [tilespmem:s0+$0xA270];
	s0 =	sshra.s32 s2, $0x2  }
.Ltmp10:
0x10b: {  	v2 =	vld [tilespmem:s0+$0xA240];
	(pc) =	sbr.rel @p3 .LBB2_23-.Ltmp10, $4  }
0x10c: {  	v6 =	vadd.f32 v3, v6;
	v8 =	vadd.f32 v4, v8;
	v1 =	vld [tilespmem:s0+$0xA250]  }
0x10d: {  	v9 =	vadd.f32 v5, v9;
	v3 =	vld [tilespmem:s0+$0xA200];
	v7 =	vadd.f32 v10, v7  }
0x10e: {  	v6 =	vadd.f32 v11, v6;
	v8 =	vadd.f32 v13, v8;
	v4 =	vld [tilespmem:s0+$0xA210]  }
0x10f: {  	s2 =	sadd.s32 $0x200, s2;
	v9 =	vadd.f32 v12, v9;
	v5 =	vld [tilespmem:s0+$0xA220];
	v7 =	vadd.f32 v14, v7  }
0x110: {  	v10 =	vld [tilespmem:s0+$0xA230]  }
0x111: {  	v11 =	vld [tilespmem:s0+$0xA260];
	s21 =	sadd.s32 s12, s21  }
0x112: {  	v12 =	vld [tilespmem:s0+$0xA270];
	s0 =	sshll.u32 s21, $0x7  }
0x113: {  	s0 =	sand.u32 $0x3FFFFF80, s0  }
0x114: {  	v3 =	vadd.f32 v3, v6;
	[tilespmem:s0+$0xB040] =	vst v0  }
0x115: {  	v4 =	vadd.f32 v4, v8;
	[tilespmem:s0+$0xB050] =	vst v0  }
0x116: {  	[tilespmem:s0+$0xB060] =	vst v0;
	v5 =	vadd.f32 v5, v9;
	v2 =	vadd.f32 v2, v3  }
0x117: {  	[tilespmem:s0+$0xB070] =	vst v0;
	v3 =	vadd.f32 v10, v7;
	v1 =	vadd.f32 v1, v4  }
0x118: {  	v63 =	vadd.f32 v11, v5;
	[tilespmem:s0+$0xB000] =	vst v2  }
0x119: {  	v2 =	vadd.f32 v12, v3;
	[tilespmem:s0+$0xB010] =	vst v1  }
0x11a: {  	[tilespmem:s0+$0xB020] =	vst v63  }
0x11b: {  	s2 =	simm.s32 @!p2 $0x38;
	[tilespmem:s0+$0xB030] =	vst v2;
	s0 =	sadd.s32 @!p2 $0x700, s5;
	s5 =	simm.s32 @!p2 $0x9400  }
0x11c: {  	[tilespmem:s5], [sflag:$0x7] =	stream.indirect.gather @!p2 [hbm4b:s3+s2], $0x40, s0, s2, $0xb8;
	[tilespmem:$0x1B000] =	vst v63  }
0x11d: {  	s20 =	sadd.s32 $0x1, s20;
	s0 =	simm.s32 @p1 $0x38;
	s2 =	simm.s32 @p1 $0x9400  }
0x11e: {  	[tilespmem:s2], [sflag:$0x7] =	stream.indirect.gather @p1 [hbm4b:s3+s0], $0x40, s19, s0, $0xb8;
	[tilespmem:$0x1B000] =	vst v63  }
0x11f: {  	p1 =	seq.s32 s20, $0x8  }
.Ltmp11:
0x120: {  	_ = 	snop;
	(pc) =	sbr.rel @!p1 .LBB2_4-.Ltmp11, $1  }
0x121: {  	_ =	sdelay $0x3  }
0x122: {  	p0 =	seq.s32 s10, $0x8  }
.Ltmp12:
0x123: {  	_ = 	snop;
	(pc) =	sbr.rel @!p0 .LBB2_3-.Ltmp12, $1  }
0x124: {  	_ =	sdelay $0x3  }
0x125: {  	s6 =	simm.s32 $0x0;
	s0 =	rddreg [dreg:$0x3];
	s2 =	simm.s32 $0xB000  }
0x126: {  	[hbm4b:s0+s6] =	stream.linear.scatter [tilespmem:s2], [sflag:$0x9], $0x10000, $0x38;
	[tilespmem:$0x1B000] =	vst v63  }
0x127: {  	s2 =	simm.s32 $0x9  }
0x128: {  	_ =	swait.ge [sflag:s2], $0x10000  }
0x129: {  	s1 =	sadd.s32 $0x1, s1;
	s21 =	rddreg [dreg:$0x4]  }
0x12a: {  	p0 =	sne.s32 s1, s21  }
.Ltmp13:
0x12b: {  	_ = 	snop;
	(pc) =	sbr.rel @p0 .LBB2_1-.Ltmp13, $3  }
0x12c: {  	_ =	sdelay $0x1  }
0x12d: {  	[sflag:s2] =	ssyncset.done $0x0  }
0x12e: {  	[sflag:s2] =	ssyncadd.s32 $0xFFFF0000  }
0x12f: {  	_ =	sfence.sel $0x180000  }
0x130: {  	[bflag:$0x0] =	sbarrier.arrive $0xFFFF  }
0x131: {  	_ =	strace $0x90000047  }
0x132: {  	s0 =	stileid.u32;
	[bflag:$0x2] =	sbarrier.arrive $0xFFFF  }
0x133: {  	p0 =	sne.s32 s0, $0x0;
	s0 =	rddreg [dreg:$0x2]  }
0x134: {  	s0 =	sadd.s32 @!p0 $0x100000, s0  }
0x135: {  	[sflag:s0] =	ssyncadd.tile.s32 @!p0 $0x1;
	_ =	shalt  }
.Lfunc_end2:
_tile_overlayer_lowered:
.L_overlay_start_2:
0x136: {  	(tag) =	ssettag $0x2  }
0x137: {  	s0 =	rddreg [dreg:$0x0];
	s2 =	stileid.u32  }
0x138: {  	s1 =	rddreg [dreg:$0x1];
	p0 =	sne.s32 s2, $0x0  }
0x139: {  	s3 =	rddreg [dreg:$0x2];
	[bflag:$0x3] =	sbarrier.arrive $0xFFFF;
	s2 =	simm.s32 @!p0 $0x1C09  }
0x13a: {  	[timem:s3], [sflag:s2] =	dma.local @!p0 [hbm:s0], s1  }
0x13b: {  	s0 =	simm.s32 @!p0 $0x9  }
0x13c: {  	_ =	swait.ge @!p0 [sflag:s0], s1  }
0x13d: {  	s1 =	ssub.s32 @!p0 $0x0, s1;
	[sflag:s0] =	ssyncset.done @!p0 $0x0  }
0x13e: {  	[sflag:s0] =	ssyncadd.s32 @!p0 s1  }
0x13f: {  	[bflag:$0x3] =	sbarrier.arrive $0xFFFF  }
0x140: {  	_ =	shalt  }

</sc_bundles>
